<compile_context>
chip_gen: v7x
topology: tpu7x:2x2x1
jax: 0.10.2.dev20260603
libtpu: 0.0.44.dev20260713+nightly
codegen_flags: <defaults>
</compile_context>

<pallas_src>
import functools

import jax
import jax.numpy as jnp
from jax import lax
from jax.experimental import pallas as pl
from jax.experimental.pallas import tpu as pltpu
from jax.experimental.pallas import tpu_sc as plsc

N = 10000
M = 10000
E = 320000
D = 128
OUT = 128

NC = 2
NS = 16
DH = D // NC
CH = 128
EPT = 20480
E_PAD = NS * EPT
NCHUNK = EPT // CH
MROWS = 10240
DUMMY = 10100
ACC_PT = MROWS // NS
OUT_PT = MROWS // NS
DCOL = 16
NBUF = 4


def _sc_segment_sum(rows2d, cols3d, nf_half):
    mesh = plsc.VectorSubcoreMesh(
        core_axis_name="c", subcore_axis_name="s", num_cores=NC, num_subcores=NS
    )

    @functools.partial(
        pl.kernel,
        mesh=mesh,
        compiler_params=pltpu.CompilerParams(use_tc_tiling_on_sc=False),
        out_type=(
            jax.ShapeDtypeStruct((NC, MROWS, DH), jnp.float32),
            jax.ShapeDtypeStruct((NC, MROWS, DCOL), jnp.float32),
        ),
        scratch_types=[
            pltpu.VMEM((NCHUNK, CH), jnp.int32),
            pltpu.VMEM((NCHUNK, CH), jnp.int32),
            pltpu.VMEM((NBUF, CH, DH), jnp.float32),
            pltpu.VMEM((CH, DCOL), jnp.float32),
            pltpu.VMEM_SHARED((MROWS, DH), jnp.float32),
            pltpu.VMEM_SHARED((MROWS, DCOL), jnp.float32),
            [pltpu.SemaphoreType.DMA] * NBUF,
            [pltpu.SemaphoreType.DMA] * NBUF,
        ],
    )
    def k(rows_hbm, cols_hbm, nf_hbm, s_out, d_out,
          ridx_v, cidx_v, gbufv, ones_v, acc_s, acc_d,
          semg, sems):
        cid = lax.axis_index("c")
        sid = lax.axis_index("s")
        gbufs = [gbufv.at[b] for b in range(NBUF)]

        zero16 = jnp.zeros((16,), jnp.float32)
        one16 = jnp.ones((16,), jnp.float32)

        def fill_z(i, carry):
            for j in range(DH // 16):
                gbufv[0, i, pl.ds(j * 16, 16)] = zero16
            ones_v[i, :] = zero16
            return carry

        lax.fori_loop(0, CH, fill_z, 0)

        base = sid * ACC_PT

        def zcopy(i, carry):
            pltpu.sync_copy(gbufs[0], acc_s.at[pl.ds(base + i * CH, CH), :])
            pltpu.sync_copy(ones_v, acc_d.at[pl.ds(base + i * CH, CH), :])
            return carry

        lax.fori_loop(0, ACC_PT // CH, zcopy, 0)

        def fill_ones(i, carry):
            ones_v[i, :] = one16
            return carry

        lax.fori_loop(0, CH, fill_ones, 0)
        plsc.subcore_barrier()

        pltpu.sync_copy(rows_hbm.at[pl.ds(sid * NCHUNK, NCHUNK), :], ridx_v)
        pltpu.sync_copy(cols_hbm.at[cid, pl.ds(sid * NCHUNK, NCHUNK), :], cidx_v)

        for b in range(NBUF):
            pltpu.async_copy(nf_hbm.at[cidx_v.at[b]], gbufs[b], semg[b])

        def stepn(i, carry):
            for b in range(NBUF):
                c = NBUF * i + b
                pltpu.make_async_copy(
                    nf_hbm.at[cidx_v.at[c]], gbufs[b], semg[b]).wait()
                pltpu.async_copy(
                    gbufs[b], acc_s.at[ridx_v.at[c]], sems[b], add=True)

                @pl.when(cid == (b % 2))
                def _():
                    pltpu.async_copy(
                        ones_v, acc_d.at[ridx_v.at[c]], sems[b], add=True)

            @pl.when(i < NCHUNK // NBUF - 1)
            def _():
                for b in range(NBUF):
                    c = NBUF * i + b
                    pltpu.make_async_copy(
                        gbufs[b], acc_s.at[ridx_v.at[c]], sems[b]).wait()

                    @pl.when(cid == (b % 2))
                    def _():
                        pltpu.make_async_copy(
                            ones_v, acc_d.at[ridx_v.at[c]], sems[b]).wait()

                    pltpu.async_copy(
                        nf_hbm.at[cidx_v.at[c + NBUF]], gbufs[b], semg[b])

            return carry

        lax.fori_loop(0, NCHUNK // NBUF, stepn, 0)

        for b in range(NBUF):
            c = NCHUNK - NBUF + b
            pltpu.make_async_copy(
                gbufs[b], acc_s.at[ridx_v.at[c]], sems[b]).wait()

            @pl.when(cid == (b % 2))
            def _():
                pltpu.make_async_copy(
                    ones_v, acc_d.at[ridx_v.at[c]], sems[b]).wait()
        plsc.subcore_barrier()

        ob = sid * OUT_PT
        pltpu.sync_copy(acc_s.at[pl.ds(ob, OUT_PT), :],
                        s_out.at[cid, pl.ds(ob, OUT_PT), :])
        pltpu.sync_copy(acc_d.at[pl.ds(ob, OUT_PT), :],
                        d_out.at[cid, pl.ds(ob, OUT_PT), :])

    return k(rows2d, cols3d, nf_half)


BM = 2000


def _tc_finish(s_part, d_part, W, b2):

    def body(s_ref, d_ref, dfull_ref, w_ref, b_ref, o_ref):
        degf = dfull_ref[0, 0:M, 0:1] + dfull_ref[1, 0:M, 0:1]
        delta = jnp.sum(jnp.log10(degf + 2.0)) / jnp.float32(M)
        s = jnp.concatenate([s_ref[0], s_ref[1]], axis=1)
        deg = d_ref[0, :, 0:1] + d_ref[1, :, 0:1]
        mean = s / jnp.where(deg > 0, deg, 1.0)
        logd = jnp.log10(deg + 2.0)
        scale = logd / delta
        dn = (((1,), (1,)), ((), ()))
        hp = dict(preferred_element_type=jnp.float32, precision=lax.Precision.HIGHEST)
        out = (lax.dot_general(mean, w_ref[:, 0:D], dn, **hp)
               + lax.dot_general(mean * scale, w_ref[:, D:2 * D], dn, **hp)
               + lax.dot_general(mean / scale, w_ref[:, 2 * D:3 * D], dn, **hp))
        out = out + b_ref[0:1, :]
        o_ref[...] = jnp.where(out > 0, out, 0.2 * out)

    return pl.pallas_call(
        body,
        grid=(M // BM,),
        in_specs=[
            pl.BlockSpec((NC, BM, DH), lambda i: (0, i, 0)),
            pl.BlockSpec((NC, BM, DCOL), lambda i: (0, i, 0)),
            pl.BlockSpec((NC, MROWS, DCOL), lambda i: (0, 0, 0)),
            pl.BlockSpec((OUT, 3 * D), lambda i: (0, 0)),
            pl.BlockSpec((1, OUT), lambda i: (0, 0)),
        ],
        out_specs=pl.BlockSpec((BM, OUT), lambda i: (i, 0)),
        out_shape=jax.ShapeDtypeStruct((M, OUT), jnp.float32),
    )(s_part, d_part, d_part, W, b2)


def kernel(edge_index, node_features, W, b):
    pad = E_PAD - E
    rows_p = jnp.concatenate(
        [edge_index[0], jnp.full((pad,), DUMMY, jnp.int32)]).reshape(E_PAD // CH, CH)
    cols_p = jnp.concatenate(
        [edge_index[1], jnp.zeros((pad,), jnp.int32)]).reshape(E_PAD // CH, CH)
    cols3d = jnp.stack([cols_p, cols_p + N])
    nf_half = (node_features.reshape(N, NC, DH)
               .swapaxes(0, 1).reshape(NC * N, DH))
    s_part, d_part = _sc_segment_sum(rows_p, cols3d, nf_half)
    return _tc_finish(s_part, d_part, W, b.reshape(1, OUT))

# --- scband reference (transcript-rebuilt; emitter-appended) ---
"""Pipeline reference for scband-pnaaggregator-3341484556653 (READ-ONLY COPY).

The authoritative reference and input builder live on the scoring server;
editing this copy changes nothing except your own understanding.
"""

import jax, jax.numpy as jnp
import numpy as np

N = 10000   # source nodes (columns)
M = 10000   # target rows of neighborhood matrix
E = 320000  # nnz / edges
D = 128     # in_channels
OUT = 128   # out_channels


def setup_inputs(seed: int = 0) -> dict:
    key = jax.random.key(seed)
    k1, k2, k3 = jax.random.split(key, 3)
    edge_index = jax.random.randint(k1, (2, E), 0, N, dtype=jnp.int32)
    node_features = jax.random.normal(k2, (N, D), dtype=jnp.float32)
    # Linear layer params: in = len(aggregators)*len(scalers)*D = 1*3*128 = 384
    W = jax.random.normal(k3, (OUT, 3 * D), dtype=jnp.float32) * 0.02
    b = jnp.zeros((OUT,), dtype=jnp.float32)
    return {"edge_index": edge_index, "node_features": node_features, "W": W, "b": b}


def reference(edge_index, node_features, W, b):
    row = edge_index[0]
    col = edge_index[1]
    # degrees = torch.sparse.sum(A, dim=1) (unit edge values)
    deg = jax.ops.segment_sum(jnp.ones((E,), dtype=node_features.dtype), row, num_segments=M)[:, None]
    valid = deg > 0
    # mean aggregation: sparse mm (gather neighbor feats, scatter-add by row) then divide valid rows
    s = jax.ops.segment_sum(node_features[col], row, num_segments=M)
    mean = jnp.where(valid, s / jnp.where(valid, deg, 1.0), s)
    # scalers
    logd = jnp.log10(deg + 2.0)
    delta = jnp.mean(logd)
    scale = logd / delta
    combined = jnp.concatenate([mean, mean * scale, mean / scale], axis=1)
    out = combined @ W.T + b
    # LeakyReLU(0.2)
    return jnp.where(out > 0, out, 0.2 * out)

if __name__ == "__main__":
    import jax
    _d = setup_inputs()
    print(jax.jit(kernel)(*tuple(_d.values())))

</pallas_src>

<mosaic_0001>
#map = affine_map<(d0, d1) -> (0, 0)>
#map1 = affine_map<(d0, d1) -> (0, 0, 0)>
module attributes {stable_mosaic.version = 14 : i64} {
  func.func @k(%arg0: i32, %arg1: i32, %arg2: memref<2560x128xi32, #tpu.memory_space<hbm>>, %arg3: memref<2x2560x128xi32, #tpu.memory_space<hbm>>, %arg4: memref<20000x64xf32, #tpu.memory_space<hbm>>, %arg5: memref<2x10240x64xf32, #tpu.memory_space<hbm>>, %arg6: memref<2x10240x16xf32, #tpu.memory_space<hbm>>, %arg7: memref<160x128xi32, #tpu.memory_space<vmem>>, %arg8: memref<160x128xi32, #tpu.memory_space<vmem>>, %arg9: memref<4x128x64xf32, #tpu.memory_space<vmem>>, %arg10: memref<128x16xf32, #tpu.memory_space<vmem>>, %arg11: memref<10240x64xf32, #tpu.memory_space<vmem_shared>>, %arg12: memref<10240x16xf32, #tpu.memory_space<vmem_shared>>, %arg13: memref<!tpu.dma_semaphore, #tpu.memory_space<semaphore_mem>>, %arg14: memref<!tpu.dma_semaphore, #tpu.memory_space<semaphore_mem>>, %arg15: memref<!tpu.dma_semaphore, #tpu.memory_space<semaphore_mem>>, %arg16: memref<!tpu.dma_semaphore, #tpu.memory_space<semaphore_mem>>, %arg17: memref<!tpu.dma_semaphore, #tpu.memory_space<semaphore_mem>>, %arg18: memref<!tpu.dma_semaphore, #tpu.memory_space<semaphore_mem>>, %arg19: memref<!tpu.dma_semaphore, #tpu.memory_space<semaphore_mem>>, %arg20: memref<!tpu.dma_semaphore, #tpu.memory_space<semaphore_mem>>) attributes {dimension_semantics = [#tpu.dimension_semantics<core_parallel>, #tpu.dimension_semantics<subcore_parallel>], iteration_bounds = array<i64: 2, 16>, scalar_prefetch = 0 : i64, scratch_operands = 14 : i64, tpu.core_type = #tpu.core_type<sc_vector_subcore>, window_params = [{transform_indices = #map}, {transform_indices = #map1}, {transform_indices = #map}, {transform_indices = #map1}, {transform_indices = #map1}]} {
    %broadcast_in_dim3A = arith.constant 0.000000e+00 : f32
    %broadcast_in_dim3A_0 = vector.broadcast %broadcast_in_dim3A : f32 to vector<16xf32>
    %broadcast_in_dim3A_1 = arith.constant 1.000000e+00 : f32
    %broadcast_in_dim3A_2 = vector.broadcast %broadcast_in_dim3A_1 : f32 to vector<16xf32>
    %scan3A = arith.constant 0 : i32
    %scan3A_3 = arith.constant 0 : i32
    %scan3A_4 = arith.constant 128 : i32
    %scan3A_5 = arith.addi %scan3A_3, %scan3A_4 : i32
    %scan3A_6 = arith.constant 1 : i32
    scf.for %scan3A_150 = %scan3A_3 to %scan3A_5 step %scan3A_6  : i32 {
      %swap3A = arith.constant 0 : i32
      %swap3A_151 = arith.index_cast %swap3A : i32 to index
      %swap3A_152 = arith.index_cast %scan3A_150 : i32 to index
      %swap3A_153 = arith.constant 0 : index
      %swap3A_154 = tpu.vector_load %arg9[%swap3A_151, %swap3A_152, %swap3A_153] {strides = array<i32>} : memref<4x128x64xf32, #tpu.memory_space<vmem>>, vector<1x1x16xf32>,
      %swap3A_155 = vector.shape_cast %swap3A_154 : vector<1x1x16xf32> to vector<16xf32>
      %swap3A_156 = vector.shape_cast %broadcast_in_dim3A_0 : vector<16xf32> to vector<1x1x16xf32>
      tpu.vector_store %arg9[%swap3A_151, %swap3A_152, %swap3A_153], %swap3A_156 {strides = array<i32>} : memref<4x128x64xf32, #tpu.memory_space<vmem>>, vector<1x1x16xf32>,
      %swap3A_157 = arith.constant 0 : i32
      %swap3A_158 = arith.index_cast %swap3A_157 : i32 to index
      %swap3A_159 = arith.index_cast %scan3A_150 : i32 to index
      %swap3A_160 = arith.constant 16 : index
      %swap3A_161 = tpu.vector_load %arg9[%swap3A_158, %swap3A_159, %swap3A_160] {strides = array<i32>} : memref<4x128x64xf32, #tpu.memory_space<vmem>>, vector<1x1x16xf32>,
      %swap3A_162 = vector.shape_cast %swap3A_161 : vector<1x1x16xf32> to vector<16xf32>
      %swap3A_163 = vector.shape_cast %broadcast_in_dim3A_0 : vector<16xf32> to vector<1x1x16xf32>
      tpu.vector_store %arg9[%swap3A_158, %swap3A_159, %swap3A_160], %swap3A_163 {strides = array<i32>} : memref<4x128x64xf32, #tpu.memory_space<vmem>>, vector<1x1x16xf32>,
      %swap3A_164 = arith.constant 0 : i32
      %swap3A_165 = arith.index_cast %swap3A_164 : i32 to index
      %swap3A_166 = arith.index_cast %scan3A_150 : i32 to index
      %swap3A_167 = arith.constant 32 : index
      %swap3A_168 = tpu.vector_load %arg9[%swap3A_165, %swap3A_166, %swap3A_167] {strides = array<i32>} : memref<4x128x64xf32, #tpu.memory_space<vmem>>, vector<1x1x16xf32>,
      %swap3A_169 = vector.shape_cast %swap3A_168 : vector<1x1x16xf32> to vector<16xf32>
      %swap3A_170 = vector.shape_cast %broadcast_in_dim3A_0 : vector<16xf32> to vector<1x1x16xf32>
      tpu.vector_store %arg9[%swap3A_165, %swap3A_166, %swap3A_167], %swap3A_170 {strides = array<i32>} : memref<4x128x64xf32, #tpu.memory_space<vmem>>, vector<1x1x16xf32>,
      %swap3A_171 = arith.constant 0 : i32
      %swap3A_172 = arith.index_cast %swap3A_171 : i32 to index
      %swap3A_173 = arith.index_cast %scan3A_150 : i32 to index
      %swap3A_174 = arith.constant 48 : index
      %swap3A_175 = tpu.vector_load %arg9[%swap3A_172, %swap3A_173, %swap3A_174] {strides = array<i32>} : memref<4x128x64xf32, #tpu.memory_space<vmem>>, vector<1x1x16xf32>,
      %swap3A_176 = vector.shape_cast %swap3A_175 : vector<1x1x16xf32> to vector<16xf32>
      %swap3A_177 = vector.shape_cast %broadcast_in_dim3A_0 : vector<16xf32> to vector<1x1x16xf32>
      tpu.vector_store %arg9[%swap3A_172, %swap3A_173, %swap3A_174], %swap3A_177 {strides = array<i32>} : memref<4x128x64xf32, #tpu.memory_space<vmem>>, vector<1x1x16xf32>,
      %swap3A_178 = arith.index_cast %scan3A_150 : i32 to index
      %swap3A_179 = arith.constant 0 : index
      %swap3A_180 = tpu.vector_load %arg10[%swap3A_178, %swap3A_179] {strides = array<i32>} : memref<128x16xf32, #tpu.memory_space<vmem>>, vector<1x16xf32>,
      %swap3A_181 = vector.shape_cast %swap3A_180 : vector<1x16xf32> to vector<16xf32>
      %swap3A_182 = vector.shape_cast %broadcast_in_dim3A_0 : vector<16xf32> to vector<1x16xf32>
      tpu.vector_store %arg10[%swap3A_178, %swap3A_179], %swap3A_182 {strides = array<i32>} : memref<128x16xf32, #tpu.memory_space<vmem>>, vector<1x16xf32>,
    }
    %scan3A_7 = arith.constant 128 : i32
    %mul3A = arith.constant 640 : i32
    %mul3A_8 = arith.muli %arg1, %mul3A : i32
    %scan3A_9 = arith.constant 0 : i32
    %scan3A_10 = arith.constant 0 : i32
    %scan3A_11 = arith.constant 0 : i32
    %scan3A_12 = arith.constant 5 : i32
    %scan3A_13 = arith.addi %scan3A_11, %scan3A_12 : i32
    %scan3A_14 = arith.constant 1 : i32
    scf.for %scan3A_150 = %scan3A_11 to %scan3A_13 step %scan3A_14  : i32 {
      %mul3A_151 = arith.constant 128 : i32
      %mul3A_152 = arith.muli %scan3A_150, %mul3A_151 : i32
      %add3A = arith.addi %mul3A_8, %mul3A_152 : i32
      "tpu.region"() ({
        %run_scoped3A = tpu.sem_alloc : memref<!tpu.dma_semaphore, #tpu.memory_space<semaphore_mem>>
        %dma_start3A_156 = arith.constant 0 : i32
        %dma_start3A_157 = arith.constant 0 : i32
        %dma_start3A_158 = tpu.memref_slice %arg9[%scan3A_10, %dma_start3A_156, %dma_start3A_157] : memref<4x128x64xf32, #tpu.memory_space<vmem>> -> memref<1x128x64xf32, #tpu.memory_space<vmem>>
        %dma_start3A_159 = tpu.memref_squeeze %dma_start3A_158 : memref<1x128x64xf32, #tpu.memory_space<vmem>> -> memref<128x64xf32, #tpu.memory_space<vmem>>
        %dma_start3A_160 = arith.constant 0 : i32
        %dma_start3A_161 = tpu.memref_slice %arg11[%add3A, %dma_start3A_160] : memref<10240x64xf32, #tpu.memory_space<vmem_shared>> -> memref<128x64xf32, #tpu.memory_space<vmem_shared>>
        %dma_start3A_162 = arith.constant 0 : i32
        %dma_start3A_163 = tpu.memref_slice %arg11[%add3A, %dma_start3A_162] : memref<10240x64xf32, #tpu.memory_space<vmem_shared>> -> memref<128x64xf32, #tpu.memory_space<vmem_shared>>
        %dma_start3A_164 = arith.constant 0 : i32
        %dma_start3A_165 = arith.constant 0 : i32
        %dma_start3A_166 = tpu.memref_slice %arg9[%scan3A_10, %dma_start3A_164, %dma_start3A_165] : memref<4x128x64xf32, #tpu.memory_space<vmem>> -> memref<1x128x64xf32, #tpu.memory_space<vmem>>
        %dma_start3A_167 = tpu.memref_squeeze %dma_start3A_166 : memref<1x128x64xf32, #tpu.memory_space<vmem>> -> memref<128x64xf32, #tpu.memory_space<vmem>>
        tpu.enqueue_dma source(%dma_start3A_167 : memref<128x64xf32, #tpu.memory_space<vmem>>) target(%dma_start3A_163 : memref<128x64xf32, #tpu.memory_space<vmem_shared>>) target_semaphore(%run_scoped3A : memref<!tpu.dma_semaphore, #tpu.memory_space<semaphore_mem>>)
        %dma_wait3A_168 = arith.constant 0 : i32
        %dma_wait3A_169 = arith.constant 0 : i32
        %dma_wait3A_170 = tpu.memref_slice %arg9[%scan3A_10, %dma_wait3A_168, %dma_wait3A_169] : memref<4x128x64xf32, #tpu.memory_space<vmem>> -> memref<1x128x64xf32, #tpu.memory_space<vmem>>
        %dma_wait3A_171 = tpu.memref_squeeze %dma_wait3A_170 : memref<1x128x64xf32, #tpu.memory_space<vmem>> -> memref<128x64xf32, #tpu.memory_space<vmem>>
        %dma_wait3A_172 = arith.constant 0 : i32
        %dma_wait3A_173 = tpu.memref_slice %arg11[%add3A, %dma_wait3A_172] : memref<10240x64xf32, #tpu.memory_space<vmem_shared>> -> memref<128x64xf32, #tpu.memory_space<vmem_shared>>
        %dma_wait3A_174 = arith.constant 0 : i32
        %dma_wait3A_175 = tpu.memref_slice %arg11[%add3A, %dma_wait3A_174] : memref<10240x64xf32, #tpu.memory_space<vmem_shared>> -> memref<128x64xf32, #tpu.memory_space<vmem_shared>>
        %dma_wait3A_176 = arith.constant 0 : i32
        %dma_wait3A_177 = arith.constant 0 : i32
        %dma_wait3A_178 = tpu.memref_slice %arg9[%scan3A_10, %dma_wait3A_176, %dma_wait3A_177] : memref<4x128x64xf32, #tpu.memory_space<vmem>> -> memref<1x128x64xf32, #tpu.memory_space<vmem>>
        %dma_wait3A_179 = tpu.memref_squeeze %dma_wait3A_178 : memref<1x128x64xf32, #tpu.memory_space<vmem>> -> memref<128x64xf32, #tpu.memory_space<vmem>>
        tpu.wait_dma2 semaphore(%run_scoped3A : memref<!tpu.dma_semaphore, #tpu.memory_space<semaphore_mem>>) src(%dma_wait3A_179 : memref<128x64xf32, #tpu.memory_space<vmem>>) dst(%dma_wait3A_175 : memref<128x64xf32, #tpu.memory_space<vmem_shared>>)
        tpu.yield
      }) : () -> ()
      %mul3A_153 = arith.constant 128 : i32
      %mul3A_154 = arith.muli %scan3A_150, %mul3A_153 : i32
      %add3A_155 = arith.addi %mul3A_8, %mul3A_154 : i32
      "tpu.region"() ({
        %run_scoped3A = tpu.sem_alloc : memref<!tpu.dma_semaphore, #tpu.memory_space<semaphore_mem>>
        %dma_start3A_156 = arith.constant 0 : i32
        %dma_start3A_157 = tpu.memref_slice %arg12[%add3A_155, %dma_start3A_156] : memref<10240x16xf32, #tpu.memory_space<vmem_shared>> -> memref<128x16xf32, #tpu.memory_space<vmem_shared>>
        %dma_start3A_158 = arith.constant 0 : i32
        %dma_start3A_159 = tpu.memref_slice %arg12[%add3A_155, %dma_start3A_158] : memref<10240x16xf32, #tpu.memory_space<vmem_shared>> -> memref<128x16xf32, #tpu.memory_space<vmem_shared>>
        tpu.enqueue_dma source(%arg10 : memref<128x16xf32, #tpu.memory_space<vmem>>) target(%dma_start3A_159 : memref<128x16xf32, #tpu.memory_space<vmem_shared>>) target_semaphore(%run_scoped3A : memref<!tpu.dma_semaphore, #tpu.memory_space<semaphore_mem>>)
        %dma_wait3A_160 = arith.constant 0 : i32
        %dma_wait3A_161 = tpu.memref_slice %arg12[%add3A_155, %dma_wait3A_160] : memref<10240x16xf32, #tpu.memory_space<vmem_shared>> -> memref<128x16xf32, #tpu.memory_space<vmem_shared>>
        %dma_wait3A_162 = arith.constant 0 : i32
        %dma_wait3A_163 = tpu.memref_slice %arg12[%add3A_155, %dma_wait3A_162] : memref<10240x16xf32, #tpu.memory_space<vmem_shared>> -> memref<128x16xf32, #tpu.memory_space<vmem_shared>>
        tpu.wait_dma2 semaphore(%run_scoped3A : memref<!tpu.dma_semaphore, #tpu.memory_space<semaphore_mem>>) src(%arg10 : memref<128x16xf32, #tpu.memory_space<vmem>>) dst(%dma_wait3A_163 : memref<128x16xf32, #tpu.memory_space<vmem_shared>>)
        tpu.yield
      }) : () -> ()
    }
    %scan3A_15 = arith.constant 5 : i32
    %scan3A_16 = arith.constant 0 : i32
    %scan3A_17 = arith.constant 0 : i32
    %scan3A_18 = arith.constant 128 : i32
    %scan3A_19 = arith.addi %scan3A_17, %scan3A_18 : i32
    %scan3A_20 = arith.constant 1 : i32
    scf.for %scan3A_150 = %scan3A_17 to %scan3A_19 step %scan3A_20  : i32 {
      %swap3A = arith.index_cast %scan3A_150 : i32 to index
      %swap3A_151 = arith.constant 0 : index
      %swap3A_152 = tpu.vector_load %arg10[%swap3A, %swap3A_151] {strides = array<i32>} : memref<128x16xf32, #tpu.memory_space<vmem>>, vector<1x16xf32>,
      %swap3A_153 = vector.shape_cast %swap3A_152 : vector<1x16xf32> to vector<16xf32>
      %swap3A_154 = vector.shape_cast %broadcast_in_dim3A_2 : vector<16xf32> to vector<1x16xf32>
      tpu.vector_store %arg10[%swap3A, %swap3A_151], %swap3A_154 {strides = array<i32>} : memref<128x16xf32, #tpu.memory_space<vmem>>, vector<1x16xf32>,
    }
    %scan3A_21 = arith.constant 128 : i32
    %barrier3A = arith.constant 0 : index
    tpu.barrier barrier_id(%barrier3A)
    %mul3A_22 = arith.constant 160 : i32
    %mul3A_23 = arith.muli %arg1, %mul3A_22 : i32
    "tpu.region"() ({
      %run_scoped3A = tpu.sem_alloc : memref<!tpu.dma_semaphore, #tpu.memory_space<semaphore_mem>>
      %dma_start3A_150 = arith.constant 0 : i32
      %dma_start3A_151 = tpu.memref_slice %arg2[%mul3A_23, %dma_start3A_150] : memref<2560x128xi32, #tpu.memory_space<hbm>> -> memref<160x128xi32, #tpu.memory_space<hbm>>
      %dma_start3A_152 = arith.constant 0 : i32
      %dma_start3A_153 = tpu.memref_slice %arg2[%mul3A_23, %dma_start3A_152] : memref<2560x128xi32, #tpu.memory_space<hbm>> -> memref<160x128xi32, #tpu.memory_space<hbm>>
      tpu.enqueue_dma source(%dma_start3A_153 : memref<160x128xi32, #tpu.memory_space<hbm>>) target(%arg7 : memref<160x128xi32, #tpu.memory_space<vmem>>) target_semaphore(%run_scoped3A : memref<!tpu.dma_semaphore, #tpu.memory_space<semaphore_mem>>)
      %dma_wait3A_154 = arith.constant 0 : i32
      %dma_wait3A_155 = tpu.memref_slice %arg2[%mul3A_23, %dma_wait3A_154] : memref<2560x128xi32, #tpu.memory_space<hbm>> -> memref<160x128xi32, #tpu.memory_space<hbm>>
      %dma_wait3A_156 = arith.constant 0 : i32
      %dma_wait3A_157 = tpu.memref_slice %arg2[%mul3A_23, %dma_wait3A_156] : memref<2560x128xi32, #tpu.memory_space<hbm>> -> memref<160x128xi32, #tpu.memory_space<hbm>>
      tpu.wait_dma2 semaphore(%run_scoped3A : memref<!tpu.dma_semaphore, #tpu.memory_space<semaphore_mem>>) src(%dma_wait3A_157 : memref<160x128xi32, #tpu.memory_space<hbm>>) dst(%arg7 : memref<160x128xi32, #tpu.memory_space<vmem>>)
      tpu.yield
    }) : () -> ()
    %mul3A_24 = arith.constant 160 : i32
    %mul3A_25 = arith.muli %arg1, %mul3A_24 : i32
    "tpu.region"() ({
      %run_scoped3A = tpu.sem_alloc : memref<!tpu.dma_semaphore, #tpu.memory_space<semaphore_mem>>
      %dma_start3A_150 = arith.constant 0 : i32
      %dma_start3A_151 = tpu.memref_slice %arg3[%arg0, %mul3A_25, %dma_start3A_150] : memref<2x2560x128xi32, #tpu.memory_space<hbm>> -> memref<1x160x128xi32, #tpu.memory_space<hbm>>
      %dma_start3A_152 = tpu.memref_squeeze %dma_start3A_151 : memref<1x160x128xi32, #tpu.memory_space<hbm>> -> memref<160x128xi32, #tpu.memory_space<hbm>>
      %dma_start3A_153 = arith.constant 0 : i32
      %dma_start3A_154 = tpu.memref_slice %arg3[%arg0, %mul3A_25, %dma_start3A_153] : memref<2x2560x128xi32, #tpu.memory_space<hbm>> -> memref<1x160x128xi32, #tpu.memory_space<hbm>>
      %dma_start3A_155 = tpu.memref_squeeze %dma_start3A_154 : memref<1x160x128xi32, #tpu.memory_space<hbm>> -> memref<160x128xi32, #tpu.memory_space<hbm>>
      tpu.enqueue_dma source(%dma_start3A_155 : memref<160x128xi32, #tpu.memory_space<hbm>>) target(%arg8 : memref<160x128xi32, #tpu.memory_space<vmem>>) target_semaphore(%run_scoped3A : memref<!tpu.dma_semaphore, #tpu.memory_space<semaphore_mem>>)
      %dma_wait3A_156 = arith.constant 0 : i32
      %dma_wait3A_157 = tpu.memref_slice %arg3[%arg0, %mul3A_25, %dma_wait3A_156] : memref<2x2560x128xi32, #tpu.memory_space<hbm>> -> memref<1x160x128xi32, #tpu.memory_space<hbm>>
      %dma_wait3A_158 = tpu.memref_squeeze %dma_wait3A_157 : memref<1x160x128xi32, #tpu.memory_space<hbm>> -> memref<160x128xi32, #tpu.memory_space<hbm>>
      %dma_wait3A_159 = arith.constant 0 : i32
      %dma_wait3A_160 = tpu.memref_slice %arg3[%arg0, %mul3A_25, %dma_wait3A_159] : memref<2x2560x128xi32, #tpu.memory_space<hbm>> -> memref<1x160x128xi32, #tpu.memory_space<hbm>>
      %dma_wait3A_161 = tpu.memref_squeeze %dma_wait3A_160 : memref<1x160x128xi32, #tpu.memory_space<hbm>> -> memref<160x128xi32, #tpu.memory_space<hbm>>
      tpu.wait_dma2 semaphore(%run_scoped3A : memref<!tpu.dma_semaphore, #tpu.memory_space<semaphore_mem>>) src(%dma_wait3A_161 : memref<160x128xi32, #tpu.memory_space<hbm>>) dst(%arg8 : memref<160x128xi32, #tpu.memory_space<vmem>>)
      tpu.yield
    }) : () -> ()
    %dma_start3A = arith.constant 0 : i32
    %dma_start3A_26 = arith.constant 0 : i32
    %dma_start3A_27 = arith.constant 0 : i32
    %dma_start3A_28 = arith.constant 0 : i32
    %dma_start3A_29 = tpu.memref_slice %arg9[%dma_start3A_26, %dma_start3A_27, %dma_start3A_28] : memref<4x128x64xf32, #tpu.memory_space<vmem>> -> memref<1x128x64xf32, #tpu.memory_space<vmem>>
    %dma_start3A_30 = tpu.memref_squeeze %dma_start3A_29 : memref<1x128x64xf32, #tpu.memory_space<vmem>> -> memref<128x64xf32, #tpu.memory_space<vmem>>
    %dma_start3A_31 = arith.constant 0 : i32
    %dma_start3A_32 = tpu.memref_slice %arg8[%dma_start3A, %dma_start3A_31] : memref<160x128xi32, #tpu.memory_space<vmem>> -> memref<1x128xi32, #tpu.memory_space<vmem>>
    %dma_start3A_33 = tpu.memref_squeeze %dma_start3A_32 : memref<1x128xi32, #tpu.memory_space<vmem>> -> memref<128xi32, #tpu.memory_space<vmem>>
    %dma_start3A_34 = arith.constant 0 : i32
    %dma_start3A_35 = arith.constant 0 : i32
    %dma_start3A_36 = tpu.memref_slice %arg4[%dma_start3A_34, %dma_start3A_35] : memref<20000x64xf32, #tpu.memory_space<hbm>> -> memref<20000x64xf32, #tpu.memory_space<hbm>>
    tpu.enqueue_indirect_dma source(%dma_start3A_36 : memref<20000x64xf32, #tpu.memory_space<hbm>>) target(%dma_start3A_30 : memref<128x64xf32, #tpu.memory_space<vmem>>) offsets(%dma_start3A_33 : memref<128xi32, #tpu.memory_space<vmem>>) semaphore(%arg13 : memref<!tpu.dma_semaphore, #tpu.memory_space<semaphore_mem>>)
    %dma_start3A_37 = arith.constant 1 : i32
    %dma_start3A_38 = arith.constant 1 : i32
    %dma_start3A_39 = arith.constant 0 : i32
    %dma_start3A_40 = arith.constant 0 : i32
    %dma_start3A_41 = tpu.memref_slice %arg9[%dma_start3A_38, %dma_start3A_39, %dma_start3A_40] : memref<4x128x64xf32, #tpu.memory_space<vmem>> -> memref<1x128x64xf32, #tpu.memory_space<vmem>>
    %dma_start3A_42 = tpu.memref_squeeze %dma_start3A_41 : memref<1x128x64xf32, #tpu.memory_space<vmem>> -> memref<128x64xf32, #tpu.memory_space<vmem>>
    %dma_start3A_43 = arith.constant 0 : i32
    %dma_start3A_44 = tpu.memref_slice %arg8[%dma_start3A_37, %dma_start3A_43] : memref<160x128xi32, #tpu.memory_space<vmem>> -> memref<1x128xi32, #tpu.memory_space<vmem>>
    %dma_start3A_45 = tpu.memref_squeeze %dma_start3A_44 : memref<1x128xi32, #tpu.memory_space<vmem>> -> memref<128xi32, #tpu.memory_space<vmem>>
    %dma_start3A_46 = arith.constant 0 : i32
    %dma_start3A_47 = arith.constant 0 : i32
    %dma_start3A_48 = tpu.memref_slice %arg4[%dma_start3A_46, %dma_start3A_47] : memref<20000x64xf32, #tpu.memory_space<hbm>> -> memref<20000x64xf32, #tpu.memory_space<hbm>>
    tpu.enqueue_indirect_dma source(%dma_start3A_48 : memref<20000x64xf32, #tpu.memory_space<hbm>>) target(%dma_start3A_42 : memref<128x64xf32, #tpu.memory_space<vmem>>) offsets(%dma_start3A_45 : memref<128xi32, #tpu.memory_space<vmem>>) semaphore(%arg14 : memref<!tpu.dma_semaphore, #tpu.memory_space<semaphore_mem>>)
    %dma_start3A_49 = arith.constant 2 : i32
    %dma_start3A_50 = arith.constant 2 : i32
    %dma_start3A_51 = arith.constant 0 : i32
    %dma_start3A_52 = arith.constant 0 : i32
    %dma_start3A_53 = tpu.memref_slice %arg9[%dma_start3A_50, %dma_start3A_51, %dma_start3A_52] : memref<4x128x64xf32, #tpu.memory_space<vmem>> -> memref<1x128x64xf32, #tpu.memory_space<vmem>>
    %dma_start3A_54 = tpu.memref_squeeze %dma_start3A_53 : memref<1x128x64xf32, #tpu.memory_space<vmem>> -> memref<128x64xf32, #tpu.memory_space<vmem>>
    %dma_start3A_55 = arith.constant 0 : i32
    %dma_start3A_56 = tpu.memref_slice %arg8[%dma_start3A_49, %dma_start3A_55] : memref<160x128xi32, #tpu.memory_space<vmem>> -> memref<1x128xi32, #tpu.memory_space<vmem>>
    %dma_start3A_57 = tpu.memref_squeeze %dma_start3A_56 : memref<1x128xi32, #tpu.memory_space<vmem>> -> memref<128xi32, #tpu.memory_space<vmem>>
    %dma_start3A_58 = arith.constant 0 : i32
    %dma_start3A_59 = arith.constant 0 : i32
    %dma_start3A_60 = tpu.memref_slice %arg4[%dma_start3A_58, %dma_start3A_59] : memref<20000x64xf32, #tpu.memory_space<hbm>> -> memref<20000x64xf32, #tpu.memory_space<hbm>>
    tpu.enqueue_indirect_dma source(%dma_start3A_60 : memref<20000x64xf32, #tpu.memory_space<hbm>>) target(%dma_start3A_54 : memref<128x64xf32, #tpu.memory_space<vmem>>) offsets(%dma_start3A_57 : memref<128xi32, #tpu.memory_space<vmem>>) semaphore(%arg15 : memref<!tpu.dma_semaphore, #tpu.memory_space<semaphore_mem>>)
    %dma_start3A_61 = arith.constant 3 : i32
    %dma_start3A_62 = arith.constant 3 : i32
    %dma_start3A_63 = arith.constant 0 : i32
    %dma_start3A_64 = arith.constant 0 : i32
    %dma_start3A_65 = tpu.memref_slice %arg9[%dma_start3A_62, %dma_start3A_63, %dma_start3A_64] : memref<4x128x64xf32, #tpu.memory_space<vmem>> -> memref<1x128x64xf32, #tpu.memory_space<vmem>>
    %dma_start3A_66 = tpu.memref_squeeze %dma_start3A_65 : memref<1x128x64xf32, #tpu.memory_space<vmem>> -> memref<128x64xf32, #tpu.memory_space<vmem>>
    %dma_start3A_67 = arith.constant 0 : i32
    %dma_start3A_68 = tpu.memref_slice %arg8[%dma_start3A_61, %dma_start3A_67] : memref<160x128xi32, #tpu.memory_space<vmem>> -> memref<1x128xi32, #tpu.memory_space<vmem>>
    %dma_start3A_69 = tpu.memref_squeeze %dma_start3A_68 : memref<1x128xi32, #tpu.memory_space<vmem>> -> memref<128xi32, #tpu.memory_space<vmem>>
    %dma_start3A_70 = arith.constant 0 : i32
    %dma_start3A_71 = arith.constant 0 : i32
    %dma_start3A_72 = tpu.memref_slice %arg4[%dma_start3A_70, %dma_start3A_71] : memref<20000x64xf32, #tpu.memory_space<hbm>> -> memref<20000x64xf32, #tpu.memory_space<hbm>>
    tpu.enqueue_indirect_dma source(%dma_start3A_72 : memref<20000x64xf32, #tpu.memory_space<hbm>>) target(%dma_start3A_66 : memref<128x64xf32, #tpu.memory_space<vmem>>) offsets(%dma_start3A_69 : memref<128xi32, #tpu.memory_space<vmem>>) semaphore(%arg16 : memref<!tpu.dma_semaphore, #tpu.memory_space<semaphore_mem>>)
    %scan3A_73 = arith.constant 0 : i32
    %scan3A_74 = arith.constant 0 : i32
    %scan3A_75 = arith.constant 1 : i32
    %scan3A_76 = arith.constant 2 : i32
    %scan3A_77 = arith.constant 3 : i32
    %scan3A_78 = arith.constant 0 : i32
    %scan3A_79 = arith.constant 40 : i32
    %scan3A_80 = arith.addi %scan3A_78, %scan3A_79 : i32
    %scan3A_81 = arith.constant 1 : i32
    scf.for %scan3A_150 = %scan3A_78 to %scan3A_80 step %scan3A_81  : i32 {
      %mul3A_151 = arith.constant 4 : i32
      %mul3A_152 = arith.muli %mul3A_151, %scan3A_150 : i32
      %add3A = arith.constant 0 : i32
      %add3A_153 = arith.addi %mul3A_152, %add3A : i32
      %dma_wait3A_154 = arith.constant 0 : i32
      %dma_wait3A_155 = arith.constant 0 : i32
      %dma_wait3A_156 = tpu.memref_slice %arg9[%scan3A_74, %dma_wait3A_154, %dma_wait3A_155] : memref<4x128x64xf32, #tpu.memory_space<vmem>> -> memref<1x128x64xf32, #tpu.memory_space<vmem>>
      %dma_wait3A_157 = tpu.memref_squeeze %dma_wait3A_156 : memref<1x128x64xf32, #tpu.memory_space<vmem>> -> memref<128x64xf32, #tpu.memory_space<vmem>>
      %dma_wait3A_158 = arith.constant 0 : i32
      %dma_wait3A_159 = tpu.memref_slice %arg8[%add3A_153, %dma_wait3A_158] : memref<160x128xi32, #tpu.memory_space<vmem>> -> memref<1x128xi32, #tpu.memory_space<vmem>>
      %dma_wait3A_160 = tpu.memref_squeeze %dma_wait3A_159 : memref<1x128xi32, #tpu.memory_space<vmem>> -> memref<128xi32, #tpu.memory_space<vmem>>
      %dma_wait3A_161 = arith.constant 0 : i32
      %dma_wait3A_162 = arith.constant 0 : i32
      %dma_wait3A_163 = tpu.memref_slice %arg4[%dma_wait3A_161, %dma_wait3A_162] : memref<20000x64xf32, #tpu.memory_space<hbm>> -> memref<20000x64xf32, #tpu.memory_space<hbm>>
      tpu.wait_indirect_dma semaphore(%arg13 : memref<!tpu.dma_semaphore, #tpu.memory_space<semaphore_mem>>) src(%dma_wait3A_163 : memref<20000x64xf32, #tpu.memory_space<hbm>>) dst(%dma_wait3A_157 : memref<128x64xf32, #tpu.memory_space<vmem>>)
      %dma_start3A_164 = arith.constant 0 : i32
      %dma_start3A_165 = arith.constant 0 : i32
      %dma_start3A_166 = tpu.memref_slice %arg9[%scan3A_74, %dma_start3A_164, %dma_start3A_165] : memref<4x128x64xf32, #tpu.memory_space<vmem>> -> memref<1x128x64xf32, #tpu.memory_space<vmem>>
      %dma_start3A_167 = tpu.memref_squeeze %dma_start3A_166 : memref<1x128x64xf32, #tpu.memory_space<vmem>> -> memref<128x64xf32, #tpu.memory_space<vmem>>
      %dma_start3A_168 = arith.constant 0 : i32
      %dma_start3A_169 = tpu.memref_slice %arg7[%add3A_153, %dma_start3A_168] : memref<160x128xi32, #tpu.memory_space<vmem>> -> memref<1x128xi32, #tpu.memory_space<vmem>>
      %dma_start3A_170 = tpu.memref_squeeze %dma_start3A_169 : memref<1x128xi32, #tpu.memory_space<vmem>> -> memref<128xi32, #tpu.memory_space<vmem>>
      %dma_start3A_171 = arith.constant 0 : i32
      %dma_start3A_172 = arith.constant 0 : i32
      %dma_start3A_173 = tpu.memref_slice %arg11[%dma_start3A_171, %dma_start3A_172] : memref<10240x64xf32, #tpu.memory_space<vmem_shared>> -> memref<10240x64xf32, #tpu.memory_space<vmem_shared>>
      tpu.enqueue_indirect_dma source(%dma_start3A_167 : memref<128x64xf32, #tpu.memory_space<vmem>>) target(%dma_start3A_173 : memref<10240x64xf32, #tpu.memory_space<vmem_shared>>) offsets(%dma_start3A_170 : memref<128xi32, #tpu.memory_space<vmem>>) semaphore(%arg17 : memref<!tpu.dma_semaphore, #tpu.memory_space<semaphore_mem>>) {add = true}
      %eq3A_174 = arith.constant 0 : i32
      %eq3A_175 = arith.cmpi eq, %arg0, %eq3A_174 : i32
      %convert_element_type3A_176 = arith.extui %eq3A_175 : i1 to i32
      %cond3A_177 = arith.constant 0 : i32
      %cond3A_178 = arith.cmpi ne, %convert_element_type3A_176, %cond3A_177 : i32
      scf.if %cond3A_178 {
        %dma_start3A_270 = arith.constant 0 : i32
        %dma_start3A_271 = tpu.memref_slice %arg7[%add3A_153, %dma_start3A_270] : memref<160x128xi32, #tpu.memory_space<vmem>> -> memref<1x128xi32, #tpu.memory_space<vmem>>
        %dma_start3A_272 = tpu.memref_squeeze %dma_start3A_271 : memref<1x128xi32, #tpu.memory_space<vmem>> -> memref<128xi32, #tpu.memory_space<vmem>>
        %dma_start3A_273 = arith.constant 0 : i32
        %dma_start3A_274 = arith.constant 0 : i32
        %dma_start3A_275 = tpu.memref_slice %arg12[%dma_start3A_273, %dma_start3A_274] : memref<10240x16xf32, #tpu.memory_space<vmem_shared>> -> memref<10240x16xf32, #tpu.memory_space<vmem_shared>>
        tpu.enqueue_indirect_dma source(%arg10 : memref<128x16xf32, #tpu.memory_space<vmem>>) target(%dma_start3A_275 : memref<10240x16xf32, #tpu.memory_space<vmem_shared>>) offsets(%dma_start3A_272 : memref<128xi32, #tpu.memory_space<vmem>>) semaphore(%arg17 : memref<!tpu.dma_semaphore, #tpu.memory_space<semaphore_mem>>) {add = true}
      } else {
      }
      %mul3A_179 = arith.constant 4 : i32
      %mul3A_180 = arith.muli %mul3A_179, %scan3A_150 : i32
      %add3A_181 = arith.constant 1 : i32
      %add3A_182 = arith.addi %mul3A_180, %add3A_181 : i32
      %dma_wait3A_183 = arith.constant 0 : i32
      %dma_wait3A_184 = arith.constant 0 : i32
      %dma_wait3A_185 = tpu.memref_slice %arg9[%scan3A_75, %dma_wait3A_183, %dma_wait3A_184] : memref<4x128x64xf32, #tpu.memory_space<vmem>> -> memref<1x128x64xf32, #tpu.memory_space<vmem>>
      %dma_wait3A_186 = tpu.memref_squeeze %dma_wait3A_185 : memref<1x128x64xf32, #tpu.memory_space<vmem>> -> memref<128x64xf32, #tpu.memory_space<vmem>>
      %dma_wait3A_187 = arith.constant 0 : i32
      %dma_wait3A_188 = tpu.memref_slice %arg8[%add3A_182, %dma_wait3A_187] : memref<160x128xi32, #tpu.memory_space<vmem>> -> memref<1x128xi32, #tpu.memory_space<vmem>>
      %dma_wait3A_189 = tpu.memref_squeeze %dma_wait3A_188 : memref<1x128xi32, #tpu.memory_space<vmem>> -> memref<128xi32, #tpu.memory_space<vmem>>
      %dma_wait3A_190 = arith.constant 0 : i32
      %dma_wait3A_191 = arith.constant 0 : i32
      %dma_wait3A_192 = tpu.memref_slice %arg4[%dma_wait3A_190, %dma_wait3A_191] : memref<20000x64xf32, #tpu.memory_space<hbm>> -> memref<20000x64xf32, #tpu.memory_space<hbm>>
      tpu.wait_indirect_dma semaphore(%arg14 : memref<!tpu.dma_semaphore, #tpu.memory_space<semaphore_mem>>) src(%dma_wait3A_192 : memref<20000x64xf32, #tpu.memory_space<hbm>>) dst(%dma_wait3A_186 : memref<128x64xf32, #tpu.memory_space<vmem>>)
      %dma_start3A_193 = arith.constant 0 : i32
      %dma_start3A_194 = arith.constant 0 : i32
      %dma_start3A_195 = tpu.memref_slice %arg9[%scan3A_75, %dma_start3A_193, %dma_start3A_194] : memref<4x128x64xf32, #tpu.memory_space<vmem>> -> memref<1x128x64xf32, #tpu.memory_space<vmem>>
      %dma_start3A_196 = tpu.memref_squeeze %dma_start3A_195 : memref<1x128x64xf32, #tpu.memory_space<vmem>> -> memref<128x64xf32, #tpu.memory_space<vmem>>
      %dma_start3A_197 = arith.constant 0 : i32
      %dma_start3A_198 = tpu.memref_slice %arg7[%add3A_182, %dma_start3A_197] : memref<160x128xi32, #tpu.memory_space<vmem>> -> memref<1x128xi32, #tpu.memory_space<vmem>>
      %dma_start3A_199 = tpu.memref_squeeze %dma_start3A_198 : memref<1x128xi32, #tpu.memory_space<vmem>> -> memref<128xi32, #tpu.memory_space<vmem>>
      %dma_start3A_200 = arith.constant 0 : i32
      %dma_start3A_201 = arith.constant 0 : i32
      %dma_start3A_202 = tpu.memref_slice %arg11[%dma_start3A_200, %dma_start3A_201] : memref<10240x64xf32, #tpu.memory_space<vmem_shared>> -> memref<10240x64xf32, #tpu.memory_space<vmem_shared>>
      tpu.enqueue_indirect_dma source(%dma_start3A_196 : memref<128x64xf32, #tpu.memory_space<vmem>>) target(%dma_start3A_202 : memref<10240x64xf32, #tpu.memory_space<vmem_shared>>) offsets(%dma_start3A_199 : memref<128xi32, #tpu.memory_space<vmem>>) semaphore(%arg18 : memref<!tpu.dma_semaphore, #tpu.memory_space<semaphore_mem>>) {add = true}
      %eq3A_203 = arith.constant 1 : i32
      %eq3A_204 = arith.cmpi eq, %arg0, %eq3A_203 : i32
      %convert_element_type3A_205 = arith.extui %eq3A_204 : i1 to i32
      %cond3A_206 = arith.constant 0 : i32
      %cond3A_207 = arith.cmpi ne, %convert_element_type3A_205, %cond3A_206 : i32
      scf.if %cond3A_207 {
        %dma_start3A_270 = arith.constant 0 : i32
        %dma_start3A_271 = tpu.memref_slice %arg7[%add3A_182, %dma_start3A_270] : memref<160x128xi32, #tpu.memory_space<vmem>> -> memref<1x128xi32, #tpu.memory_space<vmem>>
        %dma_start3A_272 = tpu.memref_squeeze %dma_start3A_271 : memref<1x128xi32, #tpu.memory_space<vmem>> -> memref<128xi32, #tpu.memory_space<vmem>>
        %dma_start3A_273 = arith.constant 0 : i32
        %dma_start3A_274 = arith.constant 0 : i32
        %dma_start3A_275 = tpu.memref_slice %arg12[%dma_start3A_273, %dma_start3A_274] : memref<10240x16xf32, #tpu.memory_space<vmem_shared>> -> memref<10240x16xf32, #tpu.memory_space<vmem_shared>>
        tpu.enqueue_indirect_dma source(%arg10 : memref<128x16xf32, #tpu.memory_space<vmem>>) target(%dma_start3A_275 : memref<10240x16xf32, #tpu.memory_space<vmem_shared>>) offsets(%dma_start3A_272 : memref<128xi32, #tpu.memory_space<vmem>>) semaphore(%arg18 : memref<!tpu.dma_semaphore, #tpu.memory_space<semaphore_mem>>) {add = true}
      } else {
      }
      %mul3A_208 = arith.constant 4 : i32
      %mul3A_209 = arith.muli %mul3A_208, %scan3A_150 : i32
      %add3A_210 = arith.constant 2 : i32
      %add3A_211 = arith.addi %mul3A_209, %add3A_210 : i32
      %dma_wait3A_212 = arith.constant 0 : i32
      %dma_wait3A_213 = arith.constant 0 : i32
      %dma_wait3A_214 = tpu.memref_slice %arg9[%scan3A_76, %dma_wait3A_212, %dma_wait3A_213] : memref<4x128x64xf32, #tpu.memory_space<vmem>> -> memref<1x128x64xf32, #tpu.memory_space<vmem>>
      %dma_wait3A_215 = tpu.memref_squeeze %dma_wait3A_214 : memref<1x128x64xf32, #tpu.memory_space<vmem>> -> memref<128x64xf32, #tpu.memory_space<vmem>>
      %dma_wait3A_216 = arith.constant 0 : i32
      %dma_wait3A_217 = tpu.memref_slice %arg8[%add3A_211, %dma_wait3A_216] : memref<160x128xi32, #tpu.memory_space<vmem>> -> memref<1x128xi32, #tpu.memory_space<vmem>>
      %dma_wait3A_218 = tpu.memref_squeeze %dma_wait3A_217 : memref<1x128xi32, #tpu.memory_space<vmem>> -> memref<128xi32, #tpu.memory_space<vmem>>
      %dma_wait3A_219 = arith.constant 0 : i32
      %dma_wait3A_220 = arith.constant 0 : i32
      %dma_wait3A_221 = tpu.memref_slice %arg4[%dma_wait3A_219, %dma_wait3A_220] : memref<20000x64xf32, #tpu.memory_space<hbm>> -> memref<20000x64xf32, #tpu.memory_space<hbm>>
      tpu.wait_indirect_dma semaphore(%arg15 : memref<!tpu.dma_semaphore, #tpu.memory_space<semaphore_mem>>) src(%dma_wait3A_221 : memref<20000x64xf32, #tpu.memory_space<hbm>>) dst(%dma_wait3A_215 : memref<128x64xf32, #tpu.memory_space<vmem>>)
      %dma_start3A_222 = arith.constant 0 : i32
      %dma_start3A_223 = arith.constant 0 : i32
      %dma_start3A_224 = tpu.memref_slice %arg9[%scan3A_76, %dma_start3A_222, %dma_start3A_223] : memref<4x128x64xf32, #tpu.memory_space<vmem>> -> memref<1x128x64xf32, #tpu.memory_space<vmem>>
      %dma_start3A_225 = tpu.memref_squeeze %dma_start3A_224 : memref<1x128x64xf32, #tpu.memory_space<vmem>> -> memref<128x64xf32, #tpu.memory_space<vmem>>
      %dma_start3A_226 = arith.constant 0 : i32
      %dma_start3A_227 = tpu.memref_slice %arg7[%add3A_211, %dma_start3A_226] : memref<160x128xi32, #tpu.memory_space<vmem>> -> memref<1x128xi32, #tpu.memory_space<vmem>>
      %dma_start3A_228 = tpu.memref_squeeze %dma_start3A_227 : memref<1x128xi32, #tpu.memory_space<vmem>> -> memref<128xi32, #tpu.memory_space<vmem>>
      %dma_start3A_229 = arith.constant 0 : i32
      %dma_start3A_230 = arith.constant 0 : i32
      %dma_start3A_231 = tpu.memref_slice %arg11[%dma_start3A_229, %dma_start3A_230] : memref<10240x64xf32, #tpu.memory_space<vmem_shared>> -> memref<10240x64xf32, #tpu.memory_space<vmem_shared>>
      tpu.enqueue_indirect_dma source(%dma_start3A_225 : memref<128x64xf32, #tpu.memory_space<vmem>>) target(%dma_start3A_231 : memref<10240x64xf32, #tpu.memory_space<vmem_shared>>) offsets(%dma_start3A_228 : memref<128xi32, #tpu.memory_space<vmem>>) semaphore(%arg19 : memref<!tpu.dma_semaphore, #tpu.memory_space<semaphore_mem>>) {add = true}
      %eq3A_232 = arith.constant 0 : i32
      %eq3A_233 = arith.cmpi eq, %arg0, %eq3A_232 : i32
      %convert_element_type3A_234 = arith.extui %eq3A_233 : i1 to i32
      %cond3A_235 = arith.constant 0 : i32
      %cond3A_236 = arith.cmpi ne, %convert_element_type3A_234, %cond3A_235 : i32
      scf.if %cond3A_236 {
        %dma_start3A_270 = arith.constant 0 : i32
        %dma_start3A_271 = tpu.memref_slice %arg7[%add3A_211, %dma_start3A_270] : memref<160x128xi32, #tpu.memory_space<vmem>> -> memref<1x128xi32, #tpu.memory_space<vmem>>
        %dma_start3A_272 = tpu.memref_squeeze %dma_start3A_271 : memref<1x128xi32, #tpu.memory_space<vmem>> -> memref<128xi32, #tpu.memory_space<vmem>>
        %dma_start3A_273 = arith.constant 0 : i32
        %dma_start3A_274 = arith.constant 0 : i32
        %dma_start3A_275 = tpu.memref_slice %arg12[%dma_start3A_273, %dma_start3A_274] : memref<10240x16xf32, #tpu.memory_space<vmem_shared>> -> memref<10240x16xf32, #tpu.memory_space<vmem_shared>>
        tpu.enqueue_indirect_dma source(%arg10 : memref<128x16xf32, #tpu.memory_space<vmem>>) target(%dma_start3A_275 : memref<10240x16xf32, #tpu.memory_space<vmem_shared>>) offsets(%dma_start3A_272 : memref<128xi32, #tpu.memory_space<vmem>>) semaphore(%arg19 : memref<!tpu.dma_semaphore, #tpu.memory_space<semaphore_mem>>) {add = true}
      } else {
      }
      %mul3A_237 = arith.constant 4 : i32
      %mul3A_238 = arith.muli %mul3A_237, %scan3A_150 : i32
      %add3A_239 = arith.constant 3 : i32
      %add3A_240 = arith.addi %mul3A_238, %add3A_239 : i32
      %dma_wait3A_241 = arith.constant 0 : i32
      %dma_wait3A_242 = arith.constant 0 : i32
      %dma_wait3A_243 = tpu.memref_slice %arg9[%scan3A_77, %dma_wait3A_241, %dma_wait3A_242] : memref<4x128x64xf32, #tpu.memory_space<vmem>> -> memref<1x128x64xf32, #tpu.memory_space<vmem>>
      %dma_wait3A_244 = tpu.memref_squeeze %dma_wait3A_243 : memref<1x128x64xf32, #tpu.memory_space<vmem>> -> memref<128x64xf32, #tpu.memory_space<vmem>>
      %dma_wait3A_245 = arith.constant 0 : i32
      %dma_wait3A_246 = tpu.memref_slice %arg8[%add3A_240, %dma_wait3A_245] : memref<160x128xi32, #tpu.memory_space<vmem>> -> memref<1x128xi32, #tpu.memory_space<vmem>>
      %dma_wait3A_247 = tpu.memref_squeeze %dma_wait3A_246 : memref<1x128xi32, #tpu.memory_space<vmem>> -> memref<128xi32, #tpu.memory_space<vmem>>
      %dma_wait3A_248 = arith.constant 0 : i32
      %dma_wait3A_249 = arith.constant 0 : i32
      %dma_wait3A_250 = tpu.memref_slice %arg4[%dma_wait3A_248, %dma_wait3A_249] : memref<20000x64xf32, #tpu.memory_space<hbm>> -> memref<20000x64xf32, #tpu.memory_space<hbm>>
      tpu.wait_indirect_dma semaphore(%arg16 : memref<!tpu.dma_semaphore, #tpu.memory_space<semaphore_mem>>) src(%dma_wait3A_250 : memref<20000x64xf32, #tpu.memory_space<hbm>>) dst(%dma_wait3A_244 : memref<128x64xf32, #tpu.memory_space<vmem>>)
      %dma_start3A_251 = arith.constant 0 : i32
      %dma_start3A_252 = arith.constant 0 : i32
      %dma_start3A_253 = tpu.memref_slice %arg9[%scan3A_77, %dma_start3A_251, %dma_start3A_252] : memref<4x128x64xf32, #tpu.memory_space<vmem>> -> memref<1x128x64xf32, #tpu.memory_space<vmem>>
      %dma_start3A_254 = tpu.memref_squeeze %dma_start3A_253 : memref<1x128x64xf32, #tpu.memory_space<vmem>> -> memref<128x64xf32, #tpu.memory_space<vmem>>
      %dma_start3A_255 = arith.constant 0 : i32
      %dma_start3A_256 = tpu.memref_slice %arg7[%add3A_240, %dma_start3A_255] : memref<160x128xi32, #tpu.memory_space<vmem>> -> memref<1x128xi32, #tpu.memory_space<vmem>>
      %dma_start3A_257 = tpu.memref_squeeze %dma_start3A_256 : memref<1x128xi32, #tpu.memory_space<vmem>> -> memref<128xi32, #tpu.memory_space<vmem>>
      %dma_start3A_258 = arith.constant 0 : i32
      %dma_start3A_259 = arith.constant 0 : i32
      %dma_start3A_260 = tpu.memref_slice %arg11[%dma_start3A_258, %dma_start3A_259] : memref<10240x64xf32, #tpu.memory_space<vmem_shared>> -> memref<10240x64xf32, #tpu.memory_space<vmem_shared>>
      tpu.enqueue_indirect_dma source(%dma_start3A_254 : memref<128x64xf32, #tpu.memory_space<vmem>>) target(%dma_start3A_260 : memref<10240x64xf32, #tpu.memory_space<vmem_shared>>) offsets(%dma_start3A_257 : memref<128xi32, #tpu.memory_space<vmem>>) semaphore(%arg20 : memref<!tpu.dma_semaphore, #tpu.memory_space<semaphore_mem>>) {add = true}
      %eq3A_261 = arith.constant 1 : i32
      %eq3A_262 = arith.cmpi eq, %arg0, %eq3A_261 : i32
      %convert_element_type3A_263 = arith.extui %eq3A_262 : i1 to i32
      %cond3A_264 = arith.constant 0 : i32
      %cond3A_265 = arith.cmpi ne, %convert_element_type3A_263, %cond3A_264 : i32
      scf.if %cond3A_265 {
        %dma_start3A_270 = arith.constant 0 : i32
        %dma_start3A_271 = tpu.memref_slice %arg7[%add3A_240, %dma_start3A_270] : memref<160x128xi32, #tpu.memory_space<vmem>> -> memref<1x128xi32, #tpu.memory_space<vmem>>
        %dma_start3A_272 = tpu.memref_squeeze %dma_start3A_271 : memref<1x128xi32, #tpu.memory_space<vmem>> -> memref<128xi32, #tpu.memory_space<vmem>>
        %dma_start3A_273 = arith.constant 0 : i32
        %dma_start3A_274 = arith.constant 0 : i32
        %dma_start3A_275 = tpu.memref_slice %arg12[%dma_start3A_273, %dma_start3A_274] : memref<10240x16xf32, #tpu.memory_space<vmem_shared>> -> memref<10240x16xf32, #tpu.memory_space<vmem_shared>>
        tpu.enqueue_indirect_dma source(%arg10 : memref<128x16xf32, #tpu.memory_space<vmem>>) target(%dma_start3A_275 : memref<10240x16xf32, #tpu.memory_space<vmem_shared>>) offsets(%dma_start3A_272 : memref<128xi32, #tpu.memory_space<vmem>>) semaphore(%arg20 : memref<!tpu.dma_semaphore, #tpu.memory_space<semaphore_mem>>) {add = true}
      } else {
      }
      %lt3A = arith.constant 39 : i32
      %lt3A_266 = arith.cmpi slt, %scan3A_150, %lt3A : i32
      %convert_element_type3A_267 = arith.extui %lt3A_266 : i1 to i32
      %cond3A_268 = arith.constant 0 : i32
      %cond3A_269 = arith.cmpi ne, %convert_element_type3A_267, %cond3A_268 : i32
      scf.if %cond3A_269 {
        %mul3A_270 = arith.constant 4 : i32
        %mul3A_271 = arith.muli %mul3A_270, %scan3A_150 : i32
        %add3A_272 = arith.constant 0 : i32
        %add3A_273 = arith.addi %mul3A_271, %add3A_272 : i32
        %dma_wait3A_274 = arith.constant 0 : i32
        %dma_wait3A_275 = arith.constant 0 : i32
        %dma_wait3A_276 = tpu.memref_slice %arg9[%scan3A_74, %dma_wait3A_274, %dma_wait3A_275] : memref<4x128x64xf32, #tpu.memory_space<vmem>> -> memref<1x128x64xf32, #tpu.memory_space<vmem>>
        %dma_wait3A_277 = tpu.memref_squeeze %dma_wait3A_276 : memref<1x128x64xf32, #tpu.memory_space<vmem>> -> memref<128x64xf32, #tpu.memory_space<vmem>>
        %dma_wait3A_278 = arith.constant 0 : i32
        %dma_wait3A_279 = tpu.memref_slice %arg7[%add3A_273, %dma_wait3A_278] : memref<160x128xi32, #tpu.memory_space<vmem>> -> memref<1x128xi32, #tpu.memory_space<vmem>>
        %dma_wait3A_280 = tpu.memref_squeeze %dma_wait3A_279 : memref<1x128xi32, #tpu.memory_space<vmem>> -> memref<128xi32, #tpu.memory_space<vmem>>
        %dma_wait3A_281 = arith.constant 0 : i32
        %dma_wait3A_282 = arith.constant 0 : i32
        %dma_wait3A_283 = tpu.memref_slice %arg11[%dma_wait3A_281, %dma_wait3A_282] : memref<10240x64xf32, #tpu.memory_space<vmem_shared>> -> memref<10240x64xf32, #tpu.memory_space<vmem_shared>>
        tpu.wait_indirect_dma semaphore(%arg17 : memref<!tpu.dma_semaphore, #tpu.memory_space<semaphore_mem>>) src(%dma_wait3A_277 : memref<128x64xf32, #tpu.memory_space<vmem>>) dst(%dma_wait3A_283 : memref<10240x64xf32, #tpu.memory_space<vmem_shared>>)
        %eq3A_284 = arith.constant 0 : i32
        %eq3A_285 = arith.cmpi eq, %arg0, %eq3A_284 : i32
        %convert_element_type3A_286 = arith.extui %eq3A_285 : i1 to i32
        %cond3A_287 = arith.constant 0 : i32
        %cond3A_288 = arith.cmpi ne, %convert_element_type3A_286, %cond3A_287 : i32
        scf.if %cond3A_288 {
          %dma_wait3A_394 = arith.constant 0 : i32
          %dma_wait3A_395 = tpu.memref_slice %arg7[%add3A_273, %dma_wait3A_394] : memref<160x128xi32, #tpu.memory_space<vmem>> -> memref<1x128xi32, #tpu.memory_space<vmem>>
          %dma_wait3A_396 = tpu.memref_squeeze %dma_wait3A_395 : memref<1x128xi32, #tpu.memory_space<vmem>> -> memref<128xi32, #tpu.memory_space<vmem>>
          %dma_wait3A_397 = arith.constant 0 : i32
          %dma_wait3A_398 = arith.constant 0 : i32
          %dma_wait3A_399 = tpu.memref_slice %arg12[%dma_wait3A_397, %dma_wait3A_398] : memref<10240x16xf32, #tpu.memory_space<vmem_shared>> -> memref<10240x16xf32, #tpu.memory_space<vmem_shared>>
          tpu.wait_indirect_dma semaphore(%arg17 : memref<!tpu.dma_semaphore, #tpu.memory_space<semaphore_mem>>) src(%arg10 : memref<128x16xf32, #tpu.memory_space<vmem>>) dst(%dma_wait3A_399 : memref<10240x16xf32, #tpu.memory_space<vmem_shared>>)
        } else {
        }
        %add3A_289 = arith.constant 4 : i32
        %add3A_290 = arith.addi %add3A_273, %add3A_289 : i32
        %dma_start3A_291 = arith.constant 0 : i32
        %dma_start3A_292 = arith.constant 0 : i32
        %dma_start3A_293 = tpu.memref_slice %arg9[%scan3A_74, %dma_start3A_291, %dma_start3A_292] : memref<4x128x64xf32, #tpu.memory_space<vmem>> -> memref<1x128x64xf32, #tpu.memory_space<vmem>>
        %dma_start3A_294 = tpu.memref_squeeze %dma_start3A_293 : memref<1x128x64xf32, #tpu.memory_space<vmem>> -> memref<128x64xf32, #tpu.memory_space<vmem>>
        %dma_start3A_295 = arith.constant 0 : i32
        %dma_start3A_296 = tpu.memref_slice %arg8[%add3A_290, %dma_start3A_295] : memref<160x128xi32, #tpu.memory_space<vmem>> -> memref<1x128xi32, #tpu.memory_space<vmem>>
        %dma_start3A_297 = tpu.memref_squeeze %dma_start3A_296 : memref<1x128xi32, #tpu.memory_space<vmem>> -> memref<128xi32, #tpu.memory_space<vmem>>
        %dma_start3A_298 = arith.constant 0 : i32
        %dma_start3A_299 = arith.constant 0 : i32
        %dma_start3A_300 = tpu.memref_slice %arg4[%dma_start3A_298, %dma_start3A_299] : memref<20000x64xf32, #tpu.memory_space<hbm>> -> memref<20000x64xf32, #tpu.memory_space<hbm>>
        tpu.enqueue_indirect_dma source(%dma_start3A_300 : memref<20000x64xf32, #tpu.memory_space<hbm>>) target(%dma_start3A_294 : memref<128x64xf32, #tpu.memory_space<vmem>>) offsets(%dma_start3A_297 : memref<128xi32, #tpu.memory_space<vmem>>) semaphore(%arg13 : memref<!tpu.dma_semaphore, #tpu.memory_space<semaphore_mem>>)
        %mul3A_301 = arith.constant 4 : i32
        %mul3A_302 = arith.muli %mul3A_301, %scan3A_150 : i32
        %add3A_303 = arith.constant 1 : i32
        %add3A_304 = arith.addi %mul3A_302, %add3A_303 : i32
        %dma_wait3A_305 = arith.constant 0 : i32
        %dma_wait3A_306 = arith.constant 0 : i32
        %dma_wait3A_307 = tpu.memref_slice %arg9[%scan3A_75, %dma_wait3A_305, %dma_wait3A_306] : memref<4x128x64xf32, #tpu.memory_space<vmem>> -> memref<1x128x64xf32, #tpu.memory_space<vmem>>
        %dma_wait3A_308 = tpu.memref_squeeze %dma_wait3A_307 : memref<1x128x64xf32, #tpu.memory_space<vmem>> -> memref<128x64xf32, #tpu.memory_space<vmem>>
        %dma_wait3A_309 = arith.constant 0 : i32
        %dma_wait3A_310 = tpu.memref_slice %arg7[%add3A_304, %dma_wait3A_309] : memref<160x128xi32, #tpu.memory_space<vmem>> -> memref<1x128xi32, #tpu.memory_space<vmem>>
        %dma_wait3A_311 = tpu.memref_squeeze %dma_wait3A_310 : memref<1x128xi32, #tpu.memory_space<vmem>> -> memref<128xi32, #tpu.memory_space<vmem>>
        %dma_wait3A_312 = arith.constant 0 : i32
        %dma_wait3A_313 = arith.constant 0 : i32
        %dma_wait3A_314 = tpu.memref_slice %arg11[%dma_wait3A_312, %dma_wait3A_313] : memref<10240x64xf32, #tpu.memory_space<vmem_shared>> -> memref<10240x64xf32, #tpu.memory_space<vmem_shared>>
        tpu.wait_indirect_dma semaphore(%arg18 : memref<!tpu.dma_semaphore, #tpu.memory_space<semaphore_mem>>) src(%dma_wait3A_308 : memref<128x64xf32, #tpu.memory_space<vmem>>) dst(%dma_wait3A_314 : memref<10240x64xf32, #tpu.memory_space<vmem_shared>>)
        %eq3A_315 = arith.constant 1 : i32
        %eq3A_316 = arith.cmpi eq, %arg0, %eq3A_315 : i32
        %convert_element_type3A_317 = arith.extui %eq3A_316 : i1 to i32
        %cond3A_318 = arith.constant 0 : i32
        %cond3A_319 = arith.cmpi ne, %convert_element_type3A_317, %cond3A_318 : i32
        scf.if %cond3A_319 {
          %dma_wait3A_394 = arith.constant 0 : i32
          %dma_wait3A_395 = tpu.memref_slice %arg7[%add3A_304, %dma_wait3A_394] : memref<160x128xi32, #tpu.memory_space<vmem>> -> memref<1x128xi32, #tpu.memory_space<vmem>>
          %dma_wait3A_396 = tpu.memref_squeeze %dma_wait3A_395 : memref<1x128xi32, #tpu.memory_space<vmem>> -> memref<128xi32, #tpu.memory_space<vmem>>
          %dma_wait3A_397 = arith.constant 0 : i32
          %dma_wait3A_398 = arith.constant 0 : i32
          %dma_wait3A_399 = tpu.memref_slice %arg12[%dma_wait3A_397, %dma_wait3A_398] : memref<10240x16xf32, #tpu.memory_space<vmem_shared>> -> memref<10240x16xf32, #tpu.memory_space<vmem_shared>>
          tpu.wait_indirect_dma semaphore(%arg18 : memref<!tpu.dma_semaphore, #tpu.memory_space<semaphore_mem>>) src(%arg10 : memref<128x16xf32, #tpu.memory_space<vmem>>) dst(%dma_wait3A_399 : memref<10240x16xf32, #tpu.memory_space<vmem_shared>>)
        } else {
        }
        %add3A_320 = arith.constant 4 : i32
        %add3A_321 = arith.addi %add3A_304, %add3A_320 : i32
        %dma_start3A_322 = arith.constant 0 : i32
        %dma_start3A_323 = arith.constant 0 : i32
        %dma_start3A_324 = tpu.memref_slice %arg9[%scan3A_75, %dma_start3A_322, %dma_start3A_323] : memref<4x128x64xf32, #tpu.memory_space<vmem>> -> memref<1x128x64xf32, #tpu.memory_space<vmem>>
        %dma_start3A_325 = tpu.memref_squeeze %dma_start3A_324 : memref<1x128x64xf32, #tpu.memory_space<vmem>> -> memref<128x64xf32, #tpu.memory_space<vmem>>
        %dma_start3A_326 = arith.constant 0 : i32
        %dma_start3A_327 = tpu.memref_slice %arg8[%add3A_321, %dma_start3A_326] : memref<160x128xi32, #tpu.memory_space<vmem>> -> memref<1x128xi32, #tpu.memory_space<vmem>>
        %dma_start3A_328 = tpu.memref_squeeze %dma_start3A_327 : memref<1x128xi32, #tpu.memory_space<vmem>> -> memref<128xi32, #tpu.memory_space<vmem>>
        %dma_start3A_329 = arith.constant 0 : i32
        %dma_start3A_330 = arith.constant 0 : i32
        %dma_start3A_331 = tpu.memref_slice %arg4[%dma_start3A_329, %dma_start3A_330] : memref<20000x64xf32, #tpu.memory_space<hbm>> -> memref<20000x64xf32, #tpu.memory_space<hbm>>
        tpu.enqueue_indirect_dma source(%dma_start3A_331 : memref<20000x64xf32, #tpu.memory_space<hbm>>) target(%dma_start3A_325 : memref<128x64xf32, #tpu.memory_space<vmem>>) offsets(%dma_start3A_328 : memref<128xi32, #tpu.memory_space<vmem>>) semaphore(%arg14 : memref<!tpu.dma_semaphore, #tpu.memory_space<semaphore_mem>>)
        %mul3A_332 = arith.constant 4 : i32
        %mul3A_333 = arith.muli %mul3A_332, %scan3A_150 : i32
        %add3A_334 = arith.constant 2 : i32
        %add3A_335 = arith.addi %mul3A_333, %add3A_334 : i32
        %dma_wait3A_336 = arith.constant 0 : i32
        %dma_wait3A_337 = arith.constant 0 : i32
        %dma_wait3A_338 = tpu.memref_slice %arg9[%scan3A_76, %dma_wait3A_336, %dma_wait3A_337] : memref<4x128x64xf32, #tpu.memory_space<vmem>> -> memref<1x128x64xf32, #tpu.memory_space<vmem>>
        %dma_wait3A_339 = tpu.memref_squeeze %dma_wait3A_338 : memref<1x128x64xf32, #tpu.memory_space<vmem>> -> memref<128x64xf32, #tpu.memory_space<vmem>>
        %dma_wait3A_340 = arith.constant 0 : i32
        %dma_wait3A_341 = tpu.memref_slice %arg7[%add3A_335, %dma_wait3A_340] : memref<160x128xi32, #tpu.memory_space<vmem>> -> memref<1x128xi32, #tpu.memory_space<vmem>>
        %dma_wait3A_342 = tpu.memref_squeeze %dma_wait3A_341 : memref<1x128xi32, #tpu.memory_space<vmem>> -> memref<128xi32, #tpu.memory_space<vmem>>
        %dma_wait3A_343 = arith.constant 0 : i32
        %dma_wait3A_344 = arith.constant 0 : i32
        %dma_wait3A_345 = tpu.memref_slice %arg11[%dma_wait3A_343, %dma_wait3A_344] : memref<10240x64xf32, #tpu.memory_space<vmem_shared>> -> memref<10240x64xf32, #tpu.memory_space<vmem_shared>>
        tpu.wait_indirect_dma semaphore(%arg19 : memref<!tpu.dma_semaphore, #tpu.memory_space<semaphore_mem>>) src(%dma_wait3A_339 : memref<128x64xf32, #tpu.memory_space<vmem>>) dst(%dma_wait3A_345 : memref<10240x64xf32, #tpu.memory_space<vmem_shared>>)
        %eq3A_346 = arith.constant 0 : i32
        %eq3A_347 = arith.cmpi eq, %arg0, %eq3A_346 : i32
        %convert_element_type3A_348 = arith.extui %eq3A_347 : i1 to i32
        %cond3A_349 = arith.constant 0 : i32
        %cond3A_350 = arith.cmpi ne, %convert_element_type3A_348, %cond3A_349 : i32
        scf.if %cond3A_350 {
          %dma_wait3A_394 = arith.constant 0 : i32
          %dma_wait3A_395 = tpu.memref_slice %arg7[%add3A_335, %dma_wait3A_394] : memref<160x128xi32, #tpu.memory_space<vmem>> -> memref<1x128xi32, #tpu.memory_space<vmem>>
          %dma_wait3A_396 = tpu.memref_squeeze %dma_wait3A_395 : memref<1x128xi32, #tpu.memory_space<vmem>> -> memref<128xi32, #tpu.memory_space<vmem>>
          %dma_wait3A_397 = arith.constant 0 : i32
          %dma_wait3A_398 = arith.constant 0 : i32
          %dma_wait3A_399 = tpu.memref_slice %arg12[%dma_wait3A_397, %dma_wait3A_398] : memref<10240x16xf32, #tpu.memory_space<vmem_shared>> -> memref<10240x16xf32, #tpu.memory_space<vmem_shared>>
          tpu.wait_indirect_dma semaphore(%arg19 : memref<!tpu.dma_semaphore, #tpu.memory_space<semaphore_mem>>) src(%arg10 : memref<128x16xf32, #tpu.memory_space<vmem>>) dst(%dma_wait3A_399 : memref<10240x16xf32, #tpu.memory_space<vmem_shared>>)
        } else {
        }
        %add3A_351 = arith.constant 4 : i32
        %add3A_352 = arith.addi %add3A_335, %add3A_351 : i32
        %dma_start3A_353 = arith.constant 0 : i32
        %dma_start3A_354 = arith.constant 0 : i32
        %dma_start3A_355 = tpu.memref_slice %arg9[%scan3A_76, %dma_start3A_353, %dma_start3A_354] : memref<4x128x64xf32, #tpu.memory_space<vmem>> -> memref<1x128x64xf32, #tpu.memory_space<vmem>>
        %dma_start3A_356 = tpu.memref_squeeze %dma_start3A_355 : memref<1x128x64xf32, #tpu.memory_space<vmem>> -> memref<128x64xf32, #tpu.memory_space<vmem>>
        %dma_start3A_357 = arith.constant 0 : i32
        %dma_start3A_358 = tpu.memref_slice %arg8[%add3A_352, %dma_start3A_357] : memref<160x128xi32, #tpu.memory_space<vmem>> -> memref<1x128xi32, #tpu.memory_space<vmem>>
        %dma_start3A_359 = tpu.memref_squeeze %dma_start3A_358 : memref<1x128xi32, #tpu.memory_space<vmem>> -> memref<128xi32, #tpu.memory_space<vmem>>
        %dma_start3A_360 = arith.constant 0 : i32
        %dma_start3A_361 = arith.constant 0 : i32
        %dma_start3A_362 = tpu.memref_slice %arg4[%dma_start3A_360, %dma_start3A_361] : memref<20000x64xf32, #tpu.memory_space<hbm>> -> memref<20000x64xf32, #tpu.memory_space<hbm>>
        tpu.enqueue_indirect_dma source(%dma_start3A_362 : memref<20000x64xf32, #tpu.memory_space<hbm>>) target(%dma_start3A_356 : memref<128x64xf32, #tpu.memory_space<vmem>>) offsets(%dma_start3A_359 : memref<128xi32, #tpu.memory_space<vmem>>) semaphore(%arg15 : memref<!tpu.dma_semaphore, #tpu.memory_space<semaphore_mem>>)
        %mul3A_363 = arith.constant 4 : i32
        %mul3A_364 = arith.muli %mul3A_363, %scan3A_150 : i32
        %add3A_365 = arith.constant 3 : i32
        %add3A_366 = arith.addi %mul3A_364, %add3A_365 : i32
        %dma_wait3A_367 = arith.constant 0 : i32
        %dma_wait3A_368 = arith.constant 0 : i32
        %dma_wait3A_369 = tpu.memref_slice %arg9[%scan3A_77, %dma_wait3A_367, %dma_wait3A_368] : memref<4x128x64xf32, #tpu.memory_space<vmem>> -> memref<1x128x64xf32, #tpu.memory_space<vmem>>
        %dma_wait3A_370 = tpu.memref_squeeze %dma_wait3A_369 : memref<1x128x64xf32, #tpu.memory_space<vmem>> -> memref<128x64xf32, #tpu.memory_space<vmem>>
        %dma_wait3A_371 = arith.constant 0 : i32
        %dma_wait3A_372 = tpu.memref_slice %arg7[%add3A_366, %dma_wait3A_371] : memref<160x128xi32, #tpu.memory_space<vmem>> -> memref<1x128xi32, #tpu.memory_space<vmem>>
        %dma_wait3A_373 = tpu.memref_squeeze %dma_wait3A_372 : memref<1x128xi32, #tpu.memory_space<vmem>> -> memref<128xi32, #tpu.memory_space<vmem>>
        %dma_wait3A_374 = arith.constant 0 : i32
        %dma_wait3A_375 = arith.constant 0 : i32
        %dma_wait3A_376 = tpu.memref_slice %arg11[%dma_wait3A_374, %dma_wait3A_375] : memref<10240x64xf32, #tpu.memory_space<vmem_shared>> -> memref<10240x64xf32, #tpu.memory_space<vmem_shared>>
        tpu.wait_indirect_dma semaphore(%arg20 : memref<!tpu.dma_semaphore, #tpu.memory_space<semaphore_mem>>) src(%dma_wait3A_370 : memref<128x64xf32, #tpu.memory_space<vmem>>) dst(%dma_wait3A_376 : memref<10240x64xf32, #tpu.memory_space<vmem_shared>>)
        %eq3A_377 = arith.constant 1 : i32
        %eq3A_378 = arith.cmpi eq, %arg0, %eq3A_377 : i32
        %convert_element_type3A_379 = arith.extui %eq3A_378 : i1 to i32
        %cond3A_380 = arith.constant 0 : i32
        %cond3A_381 = arith.cmpi ne, %convert_element_type3A_379, %cond3A_380 : i32
        scf.if %cond3A_381 {
          %dma_wait3A_394 = arith.constant 0 : i32
          %dma_wait3A_395 = tpu.memref_slice %arg7[%add3A_366, %dma_wait3A_394] : memref<160x128xi32, #tpu.memory_space<vmem>> -> memref<1x128xi32, #tpu.memory_space<vmem>>
          %dma_wait3A_396 = tpu.memref_squeeze %dma_wait3A_395 : memref<1x128xi32, #tpu.memory_space<vmem>> -> memref<128xi32, #tpu.memory_space<vmem>>
          %dma_wait3A_397 = arith.constant 0 : i32
          %dma_wait3A_398 = arith.constant 0 : i32
          %dma_wait3A_399 = tpu.memref_slice %arg12[%dma_wait3A_397, %dma_wait3A_398] : memref<10240x16xf32, #tpu.memory_space<vmem_shared>> -> memref<10240x16xf32, #tpu.memory_space<vmem_shared>>
          tpu.wait_indirect_dma semaphore(%arg20 : memref<!tpu.dma_semaphore, #tpu.memory_space<semaphore_mem>>) src(%arg10 : memref<128x16xf32, #tpu.memory_space<vmem>>) dst(%dma_wait3A_399 : memref<10240x16xf32, #tpu.memory_space<vmem_shared>>)
        } else {
        }
        %add3A_382 = arith.constant 4 : i32
        %add3A_383 = arith.addi %add3A_366, %add3A_382 : i32
        %dma_start3A_384 = arith.constant 0 : i32
        %dma_start3A_385 = arith.constant 0 : i32
        %dma_start3A_386 = tpu.memref_slice %arg9[%scan3A_77, %dma_start3A_384, %dma_start3A_385] : memref<4x128x64xf32, #tpu.memory_space<vmem>> -> memref<1x128x64xf32, #tpu.memory_space<vmem>>
        %dma_start3A_387 = tpu.memref_squeeze %dma_start3A_386 : memref<1x128x64xf32, #tpu.memory_space<vmem>> -> memref<128x64xf32, #tpu.memory_space<vmem>>
        %dma_start3A_388 = arith.constant 0 : i32
        %dma_start3A_389 = tpu.memref_slice %arg8[%add3A_383, %dma_start3A_388] : memref<160x128xi32, #tpu.memory_space<vmem>> -> memref<1x128xi32, #tpu.memory_space<vmem>>
        %dma_start3A_390 = tpu.memref_squeeze %dma_start3A_389 : memref<1x128xi32, #tpu.memory_space<vmem>> -> memref<128xi32, #tpu.memory_space<vmem>>
        %dma_start3A_391 = arith.constant 0 : i32
        %dma_start3A_392 = arith.constant 0 : i32
        %dma_start3A_393 = tpu.memref_slice %arg4[%dma_start3A_391, %dma_start3A_392] : memref<20000x64xf32, #tpu.memory_space<hbm>> -> memref<20000x64xf32, #tpu.memory_space<hbm>>
        tpu.enqueue_indirect_dma source(%dma_start3A_393 : memref<20000x64xf32, #tpu.memory_space<hbm>>) target(%dma_start3A_387 : memref<128x64xf32, #tpu.memory_space<vmem>>) offsets(%dma_start3A_390 : memref<128xi32, #tpu.memory_space<vmem>>) semaphore(%arg16 : memref<!tpu.dma_semaphore, #tpu.memory_space<semaphore_mem>>)
      } else {
      }
    }
    %scan3A_82 = arith.constant 40 : i32
    %dma_wait3A = arith.constant 0 : i32
    %dma_wait3A_83 = arith.constant 156 : i32
    %dma_wait3A_84 = arith.constant 0 : i32
    %dma_wait3A_85 = arith.constant 0 : i32
    %dma_wait3A_86 = tpu.memref_slice %arg9[%dma_wait3A, %dma_wait3A_84, %dma_wait3A_85] : memref<4x128x64xf32, #tpu.memory_space<vmem>> -> memref<1x128x64xf32, #tpu.memory_space<vmem>>
    %dma_wait3A_87 = tpu.memref_squeeze %dma_wait3A_86 : memref<1x128x64xf32, #tpu.memory_space<vmem>> -> memref<128x64xf32, #tpu.memory_space<vmem>>
    %dma_wait3A_88 = arith.constant 0 : i32
    %dma_wait3A_89 = tpu.memref_slice %arg7[%dma_wait3A_83, %dma_wait3A_88] : memref<160x128xi32, #tpu.memory_space<vmem>> -> memref<1x128xi32, #tpu.memory_space<vmem>>
    %dma_wait3A_90 = tpu.memref_squeeze %dma_wait3A_89 : memref<1x128xi32, #tpu.memory_space<vmem>> -> memref<128xi32, #tpu.memory_space<vmem>>
    %dma_wait3A_91 = arith.constant 0 : i32
    %dma_wait3A_92 = arith.constant 0 : i32
    %dma_wait3A_93 = tpu.memref_slice %arg11[%dma_wait3A_91, %dma_wait3A_92] : memref<10240x64xf32, #tpu.memory_space<vmem_shared>> -> memref<10240x64xf32, #tpu.memory_space<vmem_shared>>
    tpu.wait_indirect_dma semaphore(%arg17 : memref<!tpu.dma_semaphore, #tpu.memory_space<semaphore_mem>>) src(%dma_wait3A_87 : memref<128x64xf32, #tpu.memory_space<vmem>>) dst(%dma_wait3A_93 : memref<10240x64xf32, #tpu.memory_space<vmem_shared>>)
    %eq3A = arith.constant 0 : i32
    %eq3A_94 = arith.cmpi eq, %arg0, %eq3A : i32
    %convert_element_type3A = arith.extui %eq3A_94 : i1 to i32
    %cond3A = arith.constant 0 : i32
    %cond3A_95 = arith.cmpi ne, %convert_element_type3A, %cond3A : i32
    scf.if %cond3A_95 {
      %dma_wait3A_150 = arith.constant 156 : i32
      %dma_wait3A_151 = arith.constant 0 : i32
      %dma_wait3A_152 = tpu.memref_slice %arg7[%dma_wait3A_150, %dma_wait3A_151] : memref<160x128xi32, #tpu.memory_space<vmem>> -> memref<1x128xi32, #tpu.memory_space<vmem>>
      %dma_wait3A_153 = tpu.memref_squeeze %dma_wait3A_152 : memref<1x128xi32, #tpu.memory_space<vmem>> -> memref<128xi32, #tpu.memory_space<vmem>>
      %dma_wait3A_154 = arith.constant 0 : i32
      %dma_wait3A_155 = arith.constant 0 : i32
      %dma_wait3A_156 = tpu.memref_slice %arg12[%dma_wait3A_154, %dma_wait3A_155] : memref<10240x16xf32, #tpu.memory_space<vmem_shared>> -> memref<10240x16xf32, #tpu.memory_space<vmem_shared>>
      tpu.wait_indirect_dma semaphore(%arg17 : memref<!tpu.dma_semaphore, #tpu.memory_space<semaphore_mem>>) src(%arg10 : memref<128x16xf32, #tpu.memory_space<vmem>>) dst(%dma_wait3A_156 : memref<10240x16xf32, #tpu.memory_space<vmem_shared>>)
    } else {
    }
    %dma_wait3A_96 = arith.constant 1 : i32
    %dma_wait3A_97 = arith.constant 157 : i32
    %dma_wait3A_98 = arith.constant 0 : i32
    %dma_wait3A_99 = arith.constant 0 : i32
    %dma_wait3A_100 = tpu.memref_slice %arg9[%dma_wait3A_96, %dma_wait3A_98, %dma_wait3A_99] : memref<4x128x64xf32, #tpu.memory_space<vmem>> -> memref<1x128x64xf32, #tpu.memory_space<vmem>>
    %dma_wait3A_101 = tpu.memref_squeeze %dma_wait3A_100 : memref<1x128x64xf32, #tpu.memory_space<vmem>> -> memref<128x64xf32, #tpu.memory_space<vmem>>
    %dma_wait3A_102 = arith.constant 0 : i32
    %dma_wait3A_103 = tpu.memref_slice %arg7[%dma_wait3A_97, %dma_wait3A_102] : memref<160x128xi32, #tpu.memory_space<vmem>> -> memref<1x128xi32, #tpu.memory_space<vmem>>
    %dma_wait3A_104 = tpu.memref_squeeze %dma_wait3A_103 : memref<1x128xi32, #tpu.memory_space<vmem>> -> memref<128xi32, #tpu.memory_space<vmem>>
    %dma_wait3A_105 = arith.constant 0 : i32
    %dma_wait3A_106 = arith.constant 0 : i32
    %dma_wait3A_107 = tpu.memref_slice %arg11[%dma_wait3A_105, %dma_wait3A_106] : memref<10240x64xf32, #tpu.memory_space<vmem_shared>> -> memref<10240x64xf32, #tpu.memory_space<vmem_shared>>
    tpu.wait_indirect_dma semaphore(%arg18 : memref<!tpu.dma_semaphore, #tpu.memory_space<semaphore_mem>>) src(%dma_wait3A_101 : memref<128x64xf32, #tpu.memory_space<vmem>>) dst(%dma_wait3A_107 : memref<10240x64xf32, #tpu.memory_space<vmem_shared>>)
    %eq3A_108 = arith.constant 1 : i32
    %eq3A_109 = arith.cmpi eq, %arg0, %eq3A_108 : i32
    %convert_element_type3A_110 = arith.extui %eq3A_109 : i1 to i32
    %cond3A_111 = arith.constant 0 : i32
    %cond3A_112 = arith.cmpi ne, %convert_element_type3A_110, %cond3A_111 : i32
    scf.if %cond3A_112 {
      %dma_wait3A_150 = arith.constant 157 : i32
      %dma_wait3A_151 = arith.constant 0 : i32
      %dma_wait3A_152 = tpu.memref_slice %arg7[%dma_wait3A_150, %dma_wait3A_151] : memref<160x128xi32, #tpu.memory_space<vmem>> -> memref<1x128xi32, #tpu.memory_space<vmem>>
      %dma_wait3A_153 = tpu.memref_squeeze %dma_wait3A_152 : memref<1x128xi32, #tpu.memory_space<vmem>> -> memref<128xi32, #tpu.memory_space<vmem>>
      %dma_wait3A_154 = arith.constant 0 : i32
      %dma_wait3A_155 = arith.constant 0 : i32
      %dma_wait3A_156 = tpu.memref_slice %arg12[%dma_wait3A_154, %dma_wait3A_155] : memref<10240x16xf32, #tpu.memory_space<vmem_shared>> -> memref<10240x16xf32, #tpu.memory_space<vmem_shared>>
      tpu.wait_indirect_dma semaphore(%arg18 : memref<!tpu.dma_semaphore, #tpu.memory_space<semaphore_mem>>) src(%arg10 : memref<128x16xf32, #tpu.memory_space<vmem>>) dst(%dma_wait3A_156 : memref<10240x16xf32, #tpu.memory_space<vmem_shared>>)
    } else {
    }
    %dma_wait3A_113 = arith.constant 2 : i32
    %dma_wait3A_114 = arith.constant 158 : i32
    %dma_wait3A_115 = arith.constant 0 : i32
    %dma_wait3A_116 = arith.constant 0 : i32
    %dma_wait3A_117 = tpu.memref_slice %arg9[%dma_wait3A_113, %dma_wait3A_115, %dma_wait3A_116] : memref<4x128x64xf32, #tpu.memory_space<vmem>> -> memref<1x128x64xf32, #tpu.memory_space<vmem>>
    %dma_wait3A_118 = tpu.memref_squeeze %dma_wait3A_117 : memref<1x128x64xf32, #tpu.memory_space<vmem>> -> memref<128x64xf32, #tpu.memory_space<vmem>>
    %dma_wait3A_119 = arith.constant 0 : i32
    %dma_wait3A_120 = tpu.memref_slice %arg7[%dma_wait3A_114, %dma_wait3A_119] : memref<160x128xi32, #tpu.memory_space<vmem>> -> memref<1x128xi32, #tpu.memory_space<vmem>>
    %dma_wait3A_121 = tpu.memref_squeeze %dma_wait3A_120 : memref<1x128xi32, #tpu.memory_space<vmem>> -> memref<128xi32, #tpu.memory_space<vmem>>
    %dma_wait3A_122 = arith.constant 0 : i32
    %dma_wait3A_123 = arith.constant 0 : i32
    %dma_wait3A_124 = tpu.memref_slice %arg11[%dma_wait3A_122, %dma_wait3A_123] : memref<10240x64xf32, #tpu.memory_space<vmem_shared>> -> memref<10240x64xf32, #tpu.memory_space<vmem_shared>>
    tpu.wait_indirect_dma semaphore(%arg19 : memref<!tpu.dma_semaphore, #tpu.memory_space<semaphore_mem>>) src(%dma_wait3A_118 : memref<128x64xf32, #tpu.memory_space<vmem>>) dst(%dma_wait3A_124 : memref<10240x64xf32, #tpu.memory_space<vmem_shared>>)
    %eq3A_125 = arith.constant 0 : i32
    %eq3A_126 = arith.cmpi eq, %arg0, %eq3A_125 : i32
    %convert_element_type3A_127 = arith.extui %eq3A_126 : i1 to i32
    %cond3A_128 = arith.constant 0 : i32
    %cond3A_129 = arith.cmpi ne, %convert_element_type3A_127, %cond3A_128 : i32
    scf.if %cond3A_129 {
      %dma_wait3A_150 = arith.constant 158 : i32
      %dma_wait3A_151 = arith.constant 0 : i32
      %dma_wait3A_152 = tpu.memref_slice %arg7[%dma_wait3A_150, %dma_wait3A_151] : memref<160x128xi32, #tpu.memory_space<vmem>> -> memref<1x128xi32, #tpu.memory_space<vmem>>
      %dma_wait3A_153 = tpu.memref_squeeze %dma_wait3A_152 : memref<1x128xi32, #tpu.memory_space<vmem>> -> memref<128xi32, #tpu.memory_space<vmem>>
      %dma_wait3A_154 = arith.constant 0 : i32
      %dma_wait3A_155 = arith.constant 0 : i32
      %dma_wait3A_156 = tpu.memref_slice %arg12[%dma_wait3A_154, %dma_wait3A_155] : memref<10240x16xf32, #tpu.memory_space<vmem_shared>> -> memref<10240x16xf32, #tpu.memory_space<vmem_shared>>
      tpu.wait_indirect_dma semaphore(%arg19 : memref<!tpu.dma_semaphore, #tpu.memory_space<semaphore_mem>>) src(%arg10 : memref<128x16xf32, #tpu.memory_space<vmem>>) dst(%dma_wait3A_156 : memref<10240x16xf32, #tpu.memory_space<vmem_shared>>)
    } else {
    }
    %dma_wait3A_130 = arith.constant 3 : i32
    %dma_wait3A_131 = arith.constant 159 : i32
    %dma_wait3A_132 = arith.constant 0 : i32
    %dma_wait3A_133 = arith.constant 0 : i32
    %dma_wait3A_134 = tpu.memref_slice %arg9[%dma_wait3A_130, %dma_wait3A_132, %dma_wait3A_133] : memref<4x128x64xf32, #tpu.memory_space<vmem>> -> memref<1x128x64xf32, #tpu.memory_space<vmem>>
    %dma_wait3A_135 = tpu.memref_squeeze %dma_wait3A_134 : memref<1x128x64xf32, #tpu.memory_space<vmem>> -> memref<128x64xf32, #tpu.memory_space<vmem>>
    %dma_wait3A_136 = arith.constant 0 : i32
    %dma_wait3A_137 = tpu.memref_slice %arg7[%dma_wait3A_131, %dma_wait3A_136] : memref<160x128xi32, #tpu.memory_space<vmem>> -> memref<1x128xi32, #tpu.memory_space<vmem>>
    %dma_wait3A_138 = tpu.memref_squeeze %dma_wait3A_137 : memref<1x128xi32, #tpu.memory_space<vmem>> -> memref<128xi32, #tpu.memory_space<vmem>>
    %dma_wait3A_139 = arith.constant 0 : i32
    %dma_wait3A_140 = arith.constant 0 : i32
    %dma_wait3A_141 = tpu.memref_slice %arg11[%dma_wait3A_139, %dma_wait3A_140] : memref<10240x64xf32, #tpu.memory_space<vmem_shared>> -> memref<10240x64xf32, #tpu.memory_space<vmem_shared>>
    tpu.wait_indirect_dma semaphore(%arg20 : memref<!tpu.dma_semaphore, #tpu.memory_space<semaphore_mem>>) src(%dma_wait3A_135 : memref<128x64xf32, #tpu.memory_space<vmem>>) dst(%dma_wait3A_141 : memref<10240x64xf32, #tpu.memory_space<vmem_shared>>)
    %eq3A_142 = arith.constant 1 : i32
    %eq3A_143 = arith.cmpi eq, %arg0, %eq3A_142 : i32
    %convert_element_type3A_144 = arith.extui %eq3A_143 : i1 to i32
    %cond3A_145 = arith.constant 0 : i32
    %cond3A_146 = arith.cmpi ne, %convert_element_type3A_144, %cond3A_145 : i32
    scf.if %cond3A_146 {
      %dma_wait3A_150 = arith.constant 159 : i32
      %dma_wait3A_151 = arith.constant 0 : i32
      %dma_wait3A_152 = tpu.memref_slice %arg7[%dma_wait3A_150, %dma_wait3A_151] : memref<160x128xi32, #tpu.memory_space<vmem>> -> memref<1x128xi32, #tpu.memory_space<vmem>>
      %dma_wait3A_153 = tpu.memref_squeeze %dma_wait3A_152 : memref<1x128xi32, #tpu.memory_space<vmem>> -> memref<128xi32, #tpu.memory_space<vmem>>
      %dma_wait3A_154 = arith.constant 0 : i32
      %dma_wait3A_155 = arith.constant 0 : i32
      %dma_wait3A_156 = tpu.memref_slice %arg12[%dma_wait3A_154, %dma_wait3A_155] : memref<10240x16xf32, #tpu.memory_space<vmem_shared>> -> memref<10240x16xf32, #tpu.memory_space<vmem_shared>>
      tpu.wait_indirect_dma semaphore(%arg20 : memref<!tpu.dma_semaphore, #tpu.memory_space<semaphore_mem>>) src(%arg10 : memref<128x16xf32, #tpu.memory_space<vmem>>) dst(%dma_wait3A_156 : memref<10240x16xf32, #tpu.memory_space<vmem_shared>>)
    } else {
    }
    %barrier3A_147 = arith.constant 0 : index
    tpu.barrier barrier_id(%barrier3A_147)
    %mul3A_148 = arith.constant 640 : i32
    %mul3A_149 = arith.muli %arg1, %mul3A_148 : i32
    "tpu.region"() ({
      %run_scoped3A = tpu.sem_alloc : memref<!tpu.dma_semaphore, #tpu.memory_space<semaphore_mem>>
      %dma_start3A_150 = arith.constant 0 : i32
      %dma_start3A_151 = tpu.memref_slice %arg5[%arg0, %mul3A_149, %dma_start3A_150] : memref<2x10240x64xf32, #tpu.memory_space<hbm>> -> memref<1x640x64xf32, #tpu.memory_space<hbm>>
      %dma_start3A_152 = tpu.memref_squeeze %dma_start3A_151 : memref<1x640x64xf32, #tpu.memory_space<hbm>> -> memref<640x64xf32, #tpu.memory_space<hbm>>
      %dma_start3A_153 = arith.constant 0 : i32
      %dma_start3A_154 = tpu.memref_slice %arg11[%mul3A_149, %dma_start3A_153] : memref<10240x64xf32, #tpu.memory_space<vmem_shared>> -> memref<640x64xf32, #tpu.memory_space<vmem_shared>>
      tpu.enqueue_dma source(%dma_start3A_154 : memref<640x64xf32, #tpu.memory_space<vmem_shared>>) target(%dma_start3A_152 : memref<640x64xf32, #tpu.memory_space<hbm>>) target_semaphore(%run_scoped3A : memref<!tpu.dma_semaphore, #tpu.memory_space<semaphore_mem>>)
      %dma_wait3A_155 = arith.constant 0 : i32
      %dma_wait3A_156 = tpu.memref_slice %arg5[%arg0, %mul3A_149, %dma_wait3A_155] : memref<2x10240x64xf32, #tpu.memory_space<hbm>> -> memref<1x640x64xf32, #tpu.memory_space<hbm>>
      %dma_wait3A_157 = tpu.memref_squeeze %dma_wait3A_156 : memref<1x640x64xf32, #tpu.memory_space<hbm>> -> memref<640x64xf32, #tpu.memory_space<hbm>>
      %dma_wait3A_158 = arith.constant 0 : i32
      %dma_wait3A_159 = tpu.memref_slice %arg11[%mul3A_149, %dma_wait3A_158] : memref<10240x64xf32, #tpu.memory_space<vmem_shared>> -> memref<640x64xf32, #tpu.memory_space<vmem_shared>>
      tpu.wait_dma2 semaphore(%run_scoped3A : memref<!tpu.dma_semaphore, #tpu.memory_space<semaphore_mem>>) src(%dma_wait3A_159 : memref<640x64xf32, #tpu.memory_space<vmem_shared>>) dst(%dma_wait3A_157 : memref<640x64xf32, #tpu.memory_space<hbm>>)
      tpu.yield
    }) : () -> ()
    "tpu.region"() ({
      %run_scoped3A = tpu.sem_alloc : memref<!tpu.dma_semaphore, #tpu.memory_space<semaphore_mem>>
      %dma_start3A_150 = arith.constant 0 : i32
      %dma_start3A_151 = tpu.memref_slice %arg6[%arg0, %mul3A_149, %dma_start3A_150] : memref<2x10240x16xf32, #tpu.memory_space<hbm>> -> memref<1x640x16xf32, #tpu.memory_space<hbm>>
      %dma_start3A_152 = tpu.memref_squeeze %dma_start3A_151 : memref<1x640x16xf32, #tpu.memory_space<hbm>> -> memref<640x16xf32, #tpu.memory_space<hbm>>
      %dma_start3A_153 = arith.constant 0 : i32
      %dma_start3A_154 = tpu.memref_slice %arg12[%mul3A_149, %dma_start3A_153] : memref<10240x16xf32, #tpu.memory_space<vmem_shared>> -> memref<640x16xf32, #tpu.memory_space<vmem_shared>>
      tpu.enqueue_dma source(%dma_start3A_154 : memref<640x16xf32, #tpu.memory_space<vmem_shared>>) target(%dma_start3A_152 : memref<640x16xf32, #tpu.memory_space<hbm>>) target_semaphore(%run_scoped3A : memref<!tpu.dma_semaphore, #tpu.memory_space<semaphore_mem>>)
      %dma_wait3A_155 = arith.constant 0 : i32
      %dma_wait3A_156 = tpu.memref_slice %arg6[%arg0, %mul3A_149, %dma_wait3A_155] : memref<2x10240x16xf32, #tpu.memory_space<hbm>> -> memref<1x640x16xf32, #tpu.memory_space<hbm>>
      %dma_wait3A_157 = tpu.memref_squeeze %dma_wait3A_156 : memref<1x640x16xf32, #tpu.memory_space<hbm>> -> memref<640x16xf32, #tpu.memory_space<hbm>>
      %dma_wait3A_158 = arith.constant 0 : i32
      %dma_wait3A_159 = tpu.memref_slice %arg12[%mul3A_149, %dma_wait3A_158] : memref<10240x16xf32, #tpu.memory_space<vmem_shared>> -> memref<640x16xf32, #tpu.memory_space<vmem_shared>>
      tpu.wait_dma2 semaphore(%run_scoped3A : memref<!tpu.dma_semaphore, #tpu.memory_space<semaphore_mem>>) src(%dma_wait3A_159 : memref<640x16xf32, #tpu.memory_space<vmem_shared>>) dst(%dma_wait3A_157 : memref<640x16xf32, #tpu.memory_space<hbm>>)
      tpu.yield
    }) : () -> ()
    return
  }
}

module attributes {stable_mosaic.version = 14 : i64} {
  func.func @body(%arg0: i32, %arg1: memref<2x2000x64xf32, #tpu.memory_space<vmem>>, %arg2: memref<2x2000x16xf32, #tpu.memory_space<vmem>>, %arg3: memref<2x10240x16xf32, #tpu.memory_space<vmem>>, %arg4: memref<128x384xf32, #tpu.memory_space<vmem>>, %arg5: memref<1x128xf32, #tpu.memory_space<vmem>>, %arg6: memref<2000x128xf32, #tpu.memory_space<vmem>>) attributes {dimension_semantics = [#tpu.dimension_semantics<arbitrary>], iteration_bounds = array<i64: 5>, scalar_prefetch = 0 : i64, scratch_operands = 0 : i64, tpu.core_type = #tpu.core_type<tc>, window_params = [{transform_indices = @transform_0, window_bounds = array<i64: 2, 2000, 64>}, {transform_indices = @transform_1, window_bounds = array<i64: 2, 2000, 16>}, {pipeline_mode = #tpu.pipeline_mode<synchronous>, transform_indices = @transform_2, window_bounds = array<i64: 2, 10240, 16>}, {pipeline_mode = #tpu.pipeline_mode<synchronous>, transform_indices = @transform_3, window_bounds = array<i64: 128, 384>}, {pipeline_mode = #tpu.pipeline_mode<synchronous>, transform_indices = @transform_4, window_bounds = array<i64: 1, 128>}, {transform_indices = @transform_5, window_bounds = array<i64: 2000, 128>}]} {
    %get3A = arith.constant 0 : index
    %get3A_0 = arith.constant 0 : index
    %get3A_1 = arith.constant 0 : index
    %get3A_2 = vector.load %arg3[%get3A, %get3A_0, %get3A_1] : memref<2x10240x16xf32, #tpu.memory_space<vmem>>, vector<1x10000x1xf32>
    %get3A_3 = vector.shape_cast %get3A_2 : vector<1x10000x1xf32> to vector<10000x1xf32>
    %get3A_4 = arith.constant 1 : index
    %get3A_5 = arith.constant 0 : index
    %get3A_6 = arith.constant 0 : index
    %get3A_7 = vector.load %arg3[%get3A_4, %get3A_5, %get3A_6] : memref<2x10240x16xf32, #tpu.memory_space<vmem>>, vector<1x10000x1xf32>
    %get3A_8 = vector.shape_cast %get3A_7 : vector<1x10000x1xf32> to vector<10000x1xf32>
    %add3A = arith.addf %get3A_3, %get3A_8 : vector<10000x1xf32>
    %add3A_9 = arith.constant 2.000000e+00 : f32
    %add3A_10 = vector.broadcast %add3A_9 : f32 to vector<10000x1xf32>
    %add3A_11 = arith.addf %add3A, %add3A_10 : vector<10000x1xf32>
    %log3A = math.log %add3A_11 : vector<10000x1xf32>
    %mul3A = arith.constant 0.434294492 : f32
    %mul3A_12 = vector.broadcast %mul3A : f32 to vector<10000x1xf32>
    %mul3A_13 = arith.mulf %log3A, %mul3A_12 : vector<10000x1xf32>
    %reduce_sum3A = vector.shape_cast %mul3A_13 : vector<10000x1xf32> to vector<1x10000x1xf32>
    %reduce_sum3A_14 = arith.constant dense<0.000000e+00> : vector<1xf32>
    %reduce_sum3A_15 = vector.multi_reduction <add>, %reduce_sum3A, %reduce_sum3A_14 [1, 2] : vector<1x10000x1xf32> to vector<1xf32>
    %reduce_sum3A_16 = vector.shape_cast %reduce_sum3A_15 : vector<1xf32> to vector<1x1x1xf32>
    %reduce_sum3A_17 = vector.extract %reduce_sum3A_16[0, 0, 0] : f32 from vector<1x1x1xf32>
    %div3A = arith.constant 1.000000e+04 : f32
    %div3A_18 = arith.divf %reduce_sum3A_17, %div3A : f32
    %get3A_19 = arith.constant 0 : index
    %get3A_20 = arith.constant 0 : index
    %get3A_21 = arith.constant 0 : index
    %get3A_22 = vector.load %arg1[%get3A_19, %get3A_20, %get3A_21] : memref<2x2000x64xf32, #tpu.memory_space<vmem>>, vector<1x2000x64xf32>
    %get3A_23 = vector.shape_cast %get3A_22 : vector<1x2000x64xf32> to vector<2000x64xf32>
    %get3A_24 = arith.constant 1 : index
    %get3A_25 = arith.constant 0 : index
    %get3A_26 = arith.constant 0 : index
    %get3A_27 = vector.load %arg1[%get3A_24, %get3A_25, %get3A_26] : memref<2x2000x64xf32, #tpu.memory_space<vmem>>, vector<1x2000x64xf32>
    %get3A_28 = vector.shape_cast %get3A_27 : vector<1x2000x64xf32> to vector<2000x64xf32>
    %concatenate3A = tpu.concatenate %get3A_23, %get3A_28 in 1 : vector<2000x64xf32>, vector<2000x64xf32> -> vector<2000x128xf32>
    %get3A_29 = arith.constant 0 : index
    %get3A_30 = arith.constant 0 : index
    %get3A_31 = arith.constant 0 : index
    %get3A_32 = vector.load %arg2[%get3A_29, %get3A_30, %get3A_31] : memref<2x2000x16xf32, #tpu.memory_space<vmem>>, vector<1x2000x1xf32>
    %get3A_33 = vector.shape_cast %get3A_32 : vector<1x2000x1xf32> to vector<2000x1xf32>
    %get3A_34 = arith.constant 1 : index
    %get3A_35 = arith.constant 0 : index
    %get3A_36 = arith.constant 0 : index
    %get3A_37 = vector.load %arg2[%get3A_34, %get3A_35, %get3A_36] : memref<2x2000x16xf32, #tpu.memory_space<vmem>>, vector<1x2000x1xf32>
    %get3A_38 = vector.shape_cast %get3A_37 : vector<1x2000x1xf32> to vector<2000x1xf32>
    %add3A_39 = arith.addf %get3A_33, %get3A_38 : vector<2000x1xf32>
    %gt3A = arith.constant 0.000000e+00 : f32
    %gt3A_40 = vector.broadcast %gt3A : f32 to vector<2000x1xf32>
    %gt3A_41 = arith.cmpf ogt, %add3A_39, %gt3A_40 : vector<2000x1xf32>
    %jit3A = arith.constant 1.000000e+00 : f32
    %broadcast_in_dim3A = vector.broadcast %jit3A : f32 to vector<2000x1xf32>
    %select_n3A = arith.select %gt3A_41, %add3A_39, %broadcast_in_dim3A : vector<2000x1xi1>, vector<2000x1xf32>
    %div3A_42 = vector.broadcast %select_n3A : vector<2000x1xf32> to vector<2000x128xf32>
    %div3A_43 = arith.divf %concatenate3A, %div3A_42 : vector<2000x128xf32>
    %add3A_44 = arith.constant 2.000000e+00 : f32
    %add3A_45 = vector.broadcast %add3A_44 : f32 to vector<2000x1xf32>
    %add3A_46 = arith.addf %add3A_39, %add3A_45 : vector<2000x1xf32>
    %log3A_47 = math.log %add3A_46 : vector<2000x1xf32>
    %mul3A_48 = arith.constant 0.434294492 : f32
    %mul3A_49 = vector.broadcast %mul3A_48 : f32 to vector<2000x1xf32>
    %mul3A_50 = arith.mulf %log3A_47, %mul3A_49 : vector<2000x1xf32>
    %div3A_51 = vector.broadcast %div3A_18 : f32 to vector<2000x1xf32>
    %div3A_52 = arith.divf %mul3A_50, %div3A_51 : vector<2000x1xf32>
    %get3A_53 = arith.constant 0 : index
    %get3A_54 = arith.constant 0 : index
    %get3A_55 = vector.load %arg4[%get3A_53, %get3A_54] : memref<128x384xf32, #tpu.memory_space<vmem>>, vector<128x128xf32>
    %dot_general3A = arith.constant dense<0.000000e+00> : vector<2000x128xf32>
    %dot_general3A_56 = tpu.matmul %div3A_43, %get3A_55, %dot_general3A {dimension_numbers = #tpu.dot_dimension_numbers<[1], [1], [0], [0], [0, 0, 1, 0], [], []>, precision = #tpu.contract_precision<fp32>, transpose_lhs_hint = false} : vector<2000x128xf32>, vector<128x128xf32>, vector<2000x128xf32> -> vector<2000x128xf32>
    %mul3A_57 = vector.broadcast %div3A_52 : vector<2000x1xf32> to vector<2000x128xf32>
    %mul3A_58 = arith.mulf %div3A_43, %mul3A_57 : vector<2000x128xf32>
    %get3A_59 = arith.constant 0 : index
    %get3A_60 = arith.constant 128 : index
    %get3A_61 = vector.load %arg4[%get3A_59, %get3A_60] : memref<128x384xf32, #tpu.memory_space<vmem>>, vector<128x128xf32>
    %dot_general3A_62 = arith.constant dense<0.000000e+00> : vector<2000x128xf32>
    %dot_general3A_63 = tpu.matmul %mul3A_58, %get3A_61, %dot_general3A_62 {dimension_numbers = #tpu.dot_dimension_numbers<[1], [1], [0], [0], [0, 0, 1, 0], [], []>, precision = #tpu.contract_precision<fp32>, transpose_lhs_hint = false} : vector<2000x128xf32>, vector<128x128xf32>, vector<2000x128xf32> -> vector<2000x128xf32>
    %add3A_64 = arith.addf %dot_general3A_56, %dot_general3A_63 : vector<2000x128xf32>
    %div3A_65 = vector.broadcast %div3A_52 : vector<2000x1xf32> to vector<2000x128xf32>
    %div3A_66 = arith.divf %div3A_43, %div3A_65 : vector<2000x128xf32>
    %get3A_67 = arith.constant 0 : index
    %get3A_68 = arith.constant 256 : index
    %get3A_69 = vector.load %arg4[%get3A_67, %get3A_68] : memref<128x384xf32, #tpu.memory_space<vmem>>, vector<128x128xf32>
    %dot_general3A_70 = arith.constant dense<0.000000e+00> : vector<2000x128xf32>
    %dot_general3A_71 = tpu.matmul %div3A_66, %get3A_69, %dot_general3A_70 {dimension_numbers = #tpu.dot_dimension_numbers<[1], [1], [0], [0], [0, 0, 1, 0], [], []>, precision = #tpu.contract_precision<fp32>, transpose_lhs_hint = false} : vector<2000x128xf32>, vector<128x128xf32>, vector<2000x128xf32> -> vector<2000x128xf32>
    %add3A_72 = arith.addf %add3A_64, %dot_general3A_71 : vector<2000x128xf32>
    %get3A_73 = arith.constant 0 : index
    %get3A_74 = arith.constant 0 : index
    %get3A_75 = vector.load %arg5[%get3A_73, %get3A_74] : memref<1x128xf32, #tpu.memory_space<vmem>>, vector<1x128xf32>
    %add3A_76 = vector.broadcast %get3A_75 : vector<1x128xf32> to vector<2000x128xf32>
    %add3A_77 = arith.addf %add3A_72, %add3A_76 : vector<2000x128xf32>
    %gt3A_78 = arith.constant 0.000000e+00 : f32
    %gt3A_79 = vector.broadcast %gt3A_78 : f32 to vector<2000x128xf32>
    %gt3A_80 = arith.cmpf ogt, %add3A_77, %gt3A_79 : vector<2000x128xf32>
    %mul3A_81 = arith.constant 2.000000e-01 : f32
    %mul3A_82 = vector.broadcast %mul3A_81 : f32 to vector<2000x128xf32>
    %mul3A_83 = arith.mulf %mul3A_82, %add3A_77 : vector<2000x128xf32>
    %select_n3A_84 = arith.select %gt3A_80, %add3A_77, %mul3A_83 : vector<2000x128xi1>, vector<2000x128xf32>
    %swap3A = arith.constant 0 : index
    %swap3A_85 = arith.constant 0 : index
    %swap3A_86 = vector.load %arg6[%swap3A, %swap3A_85] : memref<2000x128xf32, #tpu.memory_space<vmem>>, vector<2000x128xf32>
    tpu.vector_store %arg6[%swap3A, %swap3A_85], %select_n3A_84 {strides = array<i32>} : memref<2000x128xf32, #tpu.memory_space<vmem>>, vector<2000x128xf32>,
    return
  }
  func.func @transform_0(%arg0: i32) -> (i32, i32, i32) {
    %c0_i32 = arith.constant 0 : i32
    %c0_i32_0 = arith.constant 0 : i32
    %c0_i32_1 = arith.constant 0 : i32
    return %c0_i32, %arg0, %c0_i32_0 : i32, i32, i32
  }
  func.func @transform_1(%arg0: i32) -> (i32, i32, i32) {
    %c0_i32 = arith.constant 0 : i32
    %c0_i32_0 = arith.constant 0 : i32
    %c0_i32_1 = arith.constant 0 : i32
    return %c0_i32, %arg0, %c0_i32_0 : i32, i32, i32
  }
  func.func @transform_2(%arg0: i32) -> (i32, i32, i32) {
    %c0_i32 = arith.constant 0 : i32
    %c0_i32_0 = arith.constant 0 : i32
    %c0_i32_1 = arith.constant 0 : i32
    %c0_i32_2 = arith.constant 0 : i32
    return %c0_i32, %c0_i32_0, %c0_i32_1 : i32, i32, i32
  }
  func.func @transform_3(%arg0: i32) -> (i32, i32) {
    %c0_i32 = arith.constant 0 : i32
    %c0_i32_0 = arith.constant 0 : i32
    %c0_i32_1 = arith.constant 0 : i32
    return %c0_i32, %c0_i32_0 : i32, i32
  }
  func.func @transform_4(%arg0: i32) -> (i32, i32) {
    %c0_i32 = arith.constant 0 : i32
    %c0_i32_0 = arith.constant 0 : i32
    %c0_i32_1 = arith.constant 0 : i32
    return %c0_i32, %c0_i32_0 : i32, i32
  }
  func.func @transform_5(%arg0: i32) -> (i32, i32) {
    %c0_i32 = arith.constant 0 : i32
    %c0_i32_0 = arith.constant 0 : i32
    return %arg0, %c0_i32 : i32, i32
  }
}

</mosaic_0001>

<sc_bundles>
// kernel: kernel.4.cloned.1.call-start
scs
__scs_entry_jumppad:
0x0: {  	(pc) =	sbr.rel $0x88, $3  }
0x1: {  	(tag) =	ssettag $0x0;
	lr =	simm.s32 $0x1  }
0x2: {  	[smem:$0x3F9D] =	sst lr;
	_ =	strace $0xD0000000  }
0x3: {  	_ = 	snop  }
0x4: {  	_ = 	snop  }
0x5: {  	_ = 	snop  }
0x6: {  	_ = 	snop  }
0x7: {  	_ = 	snop  }
__scs_overlays_trampoline_lowered:
0x8: {  	[smem:$0x3FAC] =	sst s0  }
0x9: {  	[smem:$0x3FAD] =	sst s1  }
0xa: {  	[smem:$0x3FAE] =	sst s2  }
0xb: {  	[smem:$0x3FAF] =	sst s3  }
0xc: {  	[smem:$0x3FB0] =	sst s4  }
0xd: {  	[smem:$0x3FB1] =	sst s5  }
0xe: {  	[smem:$0x3FB2] =	sst s6  }
0xf: {  	[smem:$0x3FB3] =	sst s7  }
0x10: {  	[smem:$0x3FB4] =	sst s8  }
0x11: {  	[smem:$0x3FB5] =	sst s9;
	s0 =	simm.s32 @!p0 $0x0  }
0x12: {  	s1 =	sld [smem:$0x3F9B];
	s0 =	simm.s32 @p0 $0x1  }
0x13: {  	[smem:$0x3FB6] =	sst s0;
	s0 =	simm.s32 @!p1 $0x0  }
0x14: {  	s2 =	sld [smem:$0x3F9A];
	s0 =	simm.s32 @p1 $0x1  }
0x15: {  	[smem:$0x3FB7] =	sst s0;
	s0 =	simm.s32 @!p2 $0x0  }
0x16: {  	s3 =	sld [smem:$0x3FDB];
	s0 =	simm.s32 @p2 $0x1  }
0x17: {  	s4 =	simm.s32 $0x1BF5;
	[smem:$0x3FB9] =	sst s0  }
0x18: {  	s0 =	sld [smem:$0x3F9C];
	_ =	swait.ge [sflag:s4], $0x0  }
0x19: {  	s7 =	sld [smem:$0x3F9D]  }
0x1a: {  	s8 =	sadd.s32 $0xFFFFE003, lr  }
0x1b: {  	s9 =	sadd.s32 $0xFFFFFEF7, lr;
	s5 =	simm.s32 $0xFFFFFFFF;
	p2 =	slt.u32 s8, $0xFFFFF086  }
0x1c: {  	p1 =	slt.u32 s9, $0xF7A;
	s5 =	simm.s32 @!p2 $0x0  }
0x1d: {  	s5 =	simm.s32 @p1 $0x1;
	p0 =	seq.s32 s7, s2  }
0x1e: {  	s7 =	smul.u32 @!p0 $0xF7A, s2;
	p2 =	seq.s32 @!p0 s5, $0x0  }
0x1f: {  	s9 =	smul.u32 $0xF7A, s1;
	s8 =	simm.s32 @!p0 $0x1BF5;
	p2 =	por !p2, p0  }
0x20: {  	[sflag:s8] =	ssyncset.s32 @!p0 $0xFFFFF086;
	s6 =	sadd.s32 @!p0 s3, s7;
	s7 =	simm.s32 @!p0 $0x108  }
0x21: {  	s3 =	sadd.s32 s3, s9;
	s6 =	sadd.s32 @!p0 $0x88, s6;
	s7 =	simm.s32 @p2 $0x1082  }
0x22: {  	[simem:s7], [sflag:s8] =	dma.local @!p0 [hbm:s6], $0xF7A  }
0x23: {  	s9 =	sor.u32 $0xD0000000, s2;
	s6 =	simm.s32 $0x108;
	_ =	swait.ge @!p0 [sflag:s8], $0x0  }
0x24: {  	s3 =	sadd.s32 $0x88, s3;
	s6 =	simm.s32 @!p1 $0x1082;
	[sflag:s4] =	ssyncset.s32 $0xFFFFF086  }
0x25: {  	[simem:s6], [sflag:s4] =	dma.local [hbm:s3], $0xF7A  }
0x26: {  	[smem:$0x3F9D] =	sst s1;
	(tag) =	ssettag s2;
	_ =	strace s9  }
0x27: {  	s1 =	sld [smem:$0x3FAD]  }
0x28: {  	s2 =	sld [smem:$0x3FAE]  }
0x29: {  	s4 =	sld [smem:$0x3FB0]  }
0x2a: {  	p0 =	seq.s32 s5, $0x0;
	s5 =	sld [smem:$0x3FB1]  }
0x2b: {  	s6 =	sld [smem:$0x3FB2]  }
0x2c: {  	s7 =	sld [smem:$0x3FB3]  }
0x2d: {  	s3 =	simm.s32 $0x108;
	s8 =	sld [smem:$0x3FB4]  }
0x2e: {  	s3 =	simm.s32 @!p0 $0x1082;
	s9 =	sld [smem:$0x3FB5]  }
0x2f: {  	lr =	sadd.s32 s0, s3;
	s0 =	sld [smem:$0x3FAC]  }
0x30: {  	s3 =	sld [smem:$0x3FAF]  }
0x31: {  	[smem:$0x3FB8] =	sst s10  }
0x32: {  	s10 =	sld [smem:$0x3FB6];
	_ =	sdelay $0x3  }
0x33: {  	p0 =	seq.s32 s10, $0x1;
	s10 =	sld [smem:$0x3FB8];
	_ =	sdelay $0x3  }
0x34: {  	[smem:$0x3FB8] =	sst s10  }
0x35: {  	s10 =	sld [smem:$0x3FB7];
	_ =	sdelay $0x3  }
0x36: {  	p1 =	seq.s32 s10, $0x1;
	s10 =	sld [smem:$0x3FB8];
	_ =	sdelay $0x3  }
0x37: {  	[smem:$0x3FB8] =	sst s10  }
0x38: {  	s10 =	sld [smem:$0x3FB9]  }
0x39: {  	_ = 	snop;
	(pc) =	sbr.ind lr, $3  }
0x3a: {  	_ = 	snop  }
0x3b: {  	_ = 	snop  }
0x3c: {  	p2 =	seq.s32 s10, $0x1;
	s10 =	sld [smem:$0x3FB8]  }
0x3d: {  	_ =	shalt  }
0x3e: {  	_ =	shalt  }
0x3f: {  	_ =	shalt  }
0x40: {  	_ =	shalt  }
0x41: {  	_ =	shalt  }
0x42: {  	_ =	shalt  }
0x43: {  	_ =	shalt  }
0x44: {  	_ =	shalt  }
0x45: {  	_ =	shalt  }
0x46: {  	_ =	shalt  }
0x47: {  	_ =	shalt  }
0x48: {  	_ =	shalt  }
0x49: {  	_ =	shalt  }
0x4a: {  	_ =	shalt  }
0x4b: {  	_ =	shalt  }
0x4c: {  	_ =	shalt  }
0x4d: {  	_ =	shalt  }
0x4e: {  	_ =	shalt  }
0x4f: {  	_ =	shalt  }
0x50: {  	_ =	shalt  }
0x51: {  	_ =	shalt  }
0x52: {  	_ =	shalt  }
0x53: {  	_ =	shalt  }
0x54: {  	_ =	shalt  }
0x55: {  	_ =	shalt  }
0x56: {  	_ =	shalt  }
0x57: {  	_ =	shalt  }
0x58: {  	_ =	shalt  }
0x59: {  	_ =	shalt  }
0x5a: {  	_ =	shalt  }
0x5b: {  	_ =	shalt  }
0x5c: {  	_ =	shalt  }
0x5d: {  	_ =	shalt  }
0x5e: {  	_ =	shalt  }
0x5f: {  	_ =	shalt  }
0x60: {  	_ =	shalt  }
0x61: {  	_ =	shalt  }
0x62: {  	_ =	shalt  }
0x63: {  	_ =	shalt  }
0x64: {  	_ =	shalt  }
0x65: {  	_ =	shalt  }
0x66: {  	_ =	shalt  }
0x67: {  	_ =	shalt  }
0x68: {  	_ =	shalt  }
0x69: {  	_ =	shalt  }
0x6a: {  	_ =	shalt  }
0x6b: {  	_ =	shalt  }
0x6c: {  	_ =	shalt  }
0x6d: {  	_ =	shalt  }
0x6e: {  	_ =	shalt  }
0x6f: {  	_ =	shalt  }
0x70: {  	_ =	shalt  }
0x71: {  	_ =	shalt  }
0x72: {  	_ =	shalt  }
0x73: {  	_ =	shalt  }
0x74: {  	_ =	shalt  }
0x75: {  	_ =	shalt  }
0x76: {  	_ =	shalt  }
0x77: {  	_ =	shalt  }
0x78: {  	_ =	shalt  }
0x79: {  	_ =	shalt  }
0x7a: {  	_ =	shalt  }
0x7b: {  	_ =	shalt  }
0x7c: {  	_ =	shalt  }
0x7d: {  	_ =	shalt  }
0x7e: {  	_ =	shalt  }
0x7f: {  	_ =	shalt  }
0x80: {  	_ =	shalt  }
0x81: {  	_ =	shalt  }
0x82: {  	_ =	shalt  }
0x83: {  	_ =	shalt  }
0x84: {  	_ =	shalt  }
0x85: {  	_ =	shalt  }
0x86: {  	_ =	shalt  }
0x87: {  	_ =	shalt  }
.Lfunc_end0:
.L_simem_size_0:
called_computation_lowered:
.L_overlay_start_0:
0x88: {  	s2 =	sld [smem:$0x3FD9]  }
0x89: {  	s3 =	sld [smem:$0x3FFE];
	_ =	sdelay $0x1  }
0x8a: {  	s1 =	srdreg.scid  }
0x8b: {  	s0 =	sand.u32 $0x1, s1  }
0x8c: {  	s17 =	sshll.u32 s0, $0xA;
	s2 =	sadd.s32 s3, s2  }
0x8d: {  	s2 =	sadd.s32 s2, s17  }
0x8e: {  	[smem:$0x3FC4] =	sst s2  }
0x8f: {  	_ = 	snop  }
0x90: {  	s2 =	sld [smem:$0x3FD0];
	(tm) =	ssettm $0x1  }
0x91: {  	s18 =	sld [smem:$0x3FFB];
	_ =	sdelay $0x3  }
0x92: {  	_ =	strace s18  }
0x93: {  	s3 =	sld [smem:$0x3FFC];
	_ =	sdelay $0x3  }
0x94: {  	_ =	strace s3  }
0x95: {  	s3 =	sld [smem:$0x3FFD];
	_ =	sdelay $0x3  }
0x96: {  	_ =	strace s3  }
0x97: {  	_ =	strace $0x8FFFFFFF  }
0x98: {  	s19 =	sld [smem:$0x3FDB];
	_ =	sdelay $0x1  }
0x99: {  	s4 =	simm.s32 $_scs_section_size  }
0x9a: {  	s5 =	simm.s32 $_size__tile_overlayer_lowered;
	s6 =	simm.s32 $_tile_overlayer_lowered  }
0x9b: {  	s22 =	simm.s32 $0x1BFF;
	s21 =	sshll.u32 s6, $0x1;
	s3 =	sadd.s32 s4, s19  }
0x9c: {  	s7 =	simm.s32 $0x0;
	s20 =	sshll.u32 s5, $0x1;
	s5 =	sadd.s32 s21, s3  }
0x9d: {  	[timem:s7], [sflag:s22] =	dma.local [hbm:s5], s20  }
0x9e: {  	_ =	swait.ge [sflag:s22], s20  }
0x9f: {  	s4 =	ssub.s32 $0x0, s20;
	[sflag:s22] =	ssyncset.done $0x0  }
0xa0: {  	[sflag:s22] =	ssyncadd.s32 s4;
	_ =	sdelay $0x1  }
0xa1: {  	s23 =	simm.s32 $0x1B8B  }
0xa2: {  	_ =	swait.ge [sflag:s23], $0x1  }
0xa3: {  	[sflag:s23] =	ssyncset.done $0x0  }
0xa4: {  	s25 =	simm.s32 $0x1B8E;
	s24 =	sld [smem:$0x3FFE];
	[sflag:s23] =	ssyncadd.s32 $0xFFFFFFFF  }
0xa5: {  	s26 =	simm.s32 $execute0_lowered;
	[smem:$0x3FD2] =	sst s25  }
0xa6: {  	s5 =	sshll.u32 s26, $0x1;
	_ =	strace $0x80000046;
	[dreg:$0x1] =	wrdreg $0xFFFFFFFF  }
0xa7: {  	s28 =	simm.s32 $_size_execute0_lowered;
	s3 =	sadd.s32 s3, s5;
	[dreg:$0x0] =	wrdreg $0x0  }
0xa8: {  	s5 =	sshll.u32 s28, $0x1;
	[dreg:$0x2] =	wrdreg s3  }
0xa9: {  	[dreg:$0x3] =	wrdreg s5  }
0xaa: {  	[dreg:$0x4] =	wrdreg $0xC0  }
0xab: {  	_ =	task [dreg:s7], $0x5FFFF  }
0xac: {  	[dreg:$0x1] =	wrdreg $0xFFFFFFFF  }
0xad: {  	[dreg:$0x0] =	wrdreg $0x60  }
0xae: {  	[dreg:$0x2] =	wrdreg s24  }
0xaf: {  	[dreg:$0x3] =	wrdreg s2  }
0xb0: {  	[dreg:$0x4] =	wrdreg $0x128000  }
0xb1: {  	[dreg:$0x5] =	wrdreg $0x1C8000  }
0xb2: {  	[dreg:$0x6] =	wrdreg $0x9  }
0xb3: {  	_ =	task.clear_ibuf [dreg:s7], $0x7FFFF;
	_ =	strace $0x90000046  }
0xb4: {  	s29 =	simm.s32 $0x9;
	_ =	strace $0x80000048  }
0xb5: {  	_ =	swait.ge [sflag:s29], $0x1  }
0xb6: {  	[sflag:s29] =	ssyncadd.s32 $0xFFFFFFFF  }
0xb7: {  	_ =	strace $0x90000048  }
0xb8: {  	_ =	sfence  }
0xb9: {  	s30 =	sld [smem:$0x0];
	_ =	sdelay $0x2  }
0xba: {  	s31 =	sshll.u32 s1, $0xD;
	s1 =	sshrl.u32 s1, $0x2  }
0xbb: {  	s3 =	sand.u32 $0x4000, s31;
	s1 =	sadd.s32 s1, s30  }
0xbc: {  	s0 =	sor.u32 s3, s0;
	s1 =	sshll.u32 s1, $0x11  }
0xbd: {  	s0 =	sor.u32 s1, s0  }
0xbe: {  	s0 =	sadd.s32 $0x8F2B, s0  }
0xbf: {  	[sflag:s0] =	ssyncadd.remote.s32 $0x1  }
0xc0: {  	_ =	sfence.sel $0xFFFF  }
0xc1: {  	[dreg:$0x0] =	wrdreg $0xFFFFFFFF;
	(pc) =	sbr.abs _section_cstart, $3  }
0xc2: {  	[dreg:$0x1] =	wrdreg $0xFFFFFFFF  }
0xc3: {  	_ =	task.clear_ibuf [dreg:s7], $0x2FFFF;
	_ =	strace $0x9FFFFFFF  }
0xc4: {  	(tm) =	ssettm $0x7FFFFFFF  }
0xc5: {  	_ =	shalt  }
tec
execute0_lowered:
.L_overlay_start_1:
0x0: {  	(tag) =	ssettag $0x1  }
0x1: {  	s0 =	rddreg [dreg:$0x0]  }
0x2: {  	s14 =	stileid.u32;
	s2 =	srdreg.scid  }
0x3: {  	s1 =	rddreg [dreg:$0x1];
	s6 =	smul.u32 $0x5000, s14  }
0x4: {  	s3 =	rddreg [dreg:$0x2];
	s9 =	smul.u32 $0xA000, s14  }
0x5: {  	s4 =	rddreg [dreg:$0x3];
	s11 =	smul.u32 $0x2800, s14  }
0x6: {  	s5 =	simm.s32 $0x0;
	s2 =	sand.u32 $0x1, s2;
	s26 =	smul.u32 $0x28000, s14  }
0x7: {  	s28 =	simm.s32 $0x80;
	s30 =	simm.s32 $0xC000;
	s7 =	smul.u32 $0x50000, s2  }
0x8: {  	s29 =	simm.s32 $0x10000;
	[smem:$0x7FF] =	sst s5;
	s8 =	smul.u32 $0xA0000, s2  }
0x9: {  	s31 =	simm.s32 $0x1;
	s10 =	smul.u32 $0x28000, s2;
	_ =	strace $0x80000047  }
0xa: {  	s12 =	ssub.s32 $0x2, s2;
	p0 =	sne.s32 s2, $0x0;
	p1 =	seq.s32 s2, $0x0  }
0xb: {  	s2 =	simm.s32 $0xE000;
	s13 =	sshrl.u32 s12, $0x1;
	s7 =	sadd.s32 s6, s7  }
0xc: {  	s6 =	sshrl.u32 s6, $0x3;
	s8 =	sadd.s32 s9, s8;
	s10 =	sadd.s32 s11, s10  }
0xd: {  	s23 =	ssub.s32 s12, s13;
	s12 =	smul.u32 $0x280, s14;
	s11 =	sadd.s32 s11, s4  }
0xe: {  	s14 =	sshrl.u32 s9, $0x2;
	s7 =	sshrl.u32 s7, $0x3;
	s6 =	sadd.s32 s6, s0  }
0xf: {  	s8 =	sshrl.u32 s8, $0x3;
	s10 =	sshrl.u32 s10, $0x3;
	s13 =	smax.u32 s23, $0x1  }
0x10: {  	s16 =	sadd.s32 s14, s4;
	s7 =	sadd.s32 s7, s0;
	s8 =	sadd.s32 s8, s0  }
0x11: {  	s0 =	sadd.s32 s10, s0;
	s6 =	sadd.s32 $0x800, s6;
	[dreg:$0x9] =	wrdreg s13  }
0x12: {  	s15 =	sadd.s32 $0x80, s12;
	[dreg:$0xb] =	wrdreg s16;
	s19 =	sadd.s32 $0x100, s12  }
0x13: {  	s21 =	sadd.s32 $0x180, s12;
	[dreg:$0x5] =	wrdreg s6;
	s24 =	sadd.s32 $0xA800, s7  }
0x14: {  	s25 =	sadd.s32 $0x1E800, s8;
	s6 =	sadd.s32 s9, s3;
	s0 =	sadd.s32 $0x46800, s0  }
0x15: {  	s7 =	sshrl.u32 s26, $0x2;
	s17 =	sshll.u32 s15, $0x6;
	s18 =	sshll.u32 s15, $0x4  }
0x16: {  	s20 =	sshll.u32 s19, $0x6;
	s22 =	sshll.u32 s19, $0x4;
	[dreg:$0x6] =	wrdreg s24  }
0x17: {  	s23 =	sshll.u32 s21, $0x6;
	s8 =	simm.s32 $0x5;
	[dreg:$0x7] =	wrdreg s25  }
0x18: {  	s9 =	simm.s32 $0x6;
	[dreg:$0x8] =	wrdreg s0;
	s7 =	sadd.s32 s7, s3  }
0x19: {  	s24 =	sadd.s32 $0x200, s12;
	s25 =	sshll.u32 s21, $0x4;
	s21 =	simm.s32 $0xA000  }
0x1a: {  	s0 =	simm.s32 $0x2;
	[dreg:$0xa] =	wrdreg s7;
	s7 =	sadd.s32 s17, s3  }
0x1b: {  	s17 =	sadd.s32 s23, s3;
	s26 =	sshll.u32 s24, $0x6;
	s23 =	simm.s32 $0x12000  }
0x1c: {  	[dreg:$0xc] =	wrdreg s7;
	s7 =	sadd.s32 s18, s4;
	s18 =	sadd.s32 s25, s4  }
.Ltmp0:
0x1d: {  	s19 =	sadd.s32 s26, s3;
	s25 =	sshrl.u32 s11, $0x3;
	(pc) =	sbr.rel .LBB2_1-.Ltmp0, $4  }
0x1e: {  	s26 =	simm.s32 $0x5000;
	[dreg:$0xd] =	wrdreg s7;
	s7 =	sadd.s32 s20, s3  }
0x1f: {  	[dreg:$0xe] =	wrdreg s7;
	s7 =	sadd.s32 s22, s4;
	s22 =	simm.s32 $0x9  }
0x20: {  	[dreg:$0xf] =	wrdreg s7;
	s7 =	sshll.u32 s24, $0x4;
	s24 =	sshrl.u32 s6, $0x3  }
0x21: {  	v0 =	vimm.f32 $0.0e+00;
	v1 =	vimm.f32 $1.000000000e+00;
	s6 =	simm.s32 $0x3;
	s20 =	sadd.s32 s7, s4;
	s7 =	simm.s32 $0x4  }
.LBB2_8:
0x22: {  	s10 =	simm.s32 @p0 $0x6  }
0x23: {  	_ =	swait.ge @p0 [sflag:s10], $0x2000  }
0x24: {  	[sflag:s10] =	ssyncset.done @p0 $0x0  }
0x25: {  	[sflag:s10] =	ssyncadd.s32 @p0 $0xFFFFE000  }
0x26: {  	_ =	swait.ge @p0 [sflag:s10], $0x800  }
0x27: {  	[sflag:s10] =	ssyncset.done @p0 $0x0  }
0x28: {  	[sflag:s10] =	ssyncadd.s32 @p0 $0xFFFFF800;
	s10 =	simm.s32 @p0 $0x7  }
0x29: {  	_ =	swait.ge @p0 [sflag:s10], $0x2000  }
0x2a: {  	[sflag:s10] =	ssyncset.done @p0 $0x0  }
0x2b: {  	[sflag:s10] =	ssyncadd.s32 @p0 $0xFFFFE000;
	s10 =	simm.s32 @p0 $0x8  }
0x2c: {  	_ =	swait.ge @p0 [sflag:s10], $0x2000  }
0x2d: {  	[sflag:s10] =	ssyncset.done @p0 $0x0  }
0x2e: {  	[sflag:s10] =	ssyncadd.s32 @p0 $0xFFFFE000  }
0x2f: {  	_ =	swait.ge @p0 [sflag:s10], $0x800  }
0x30: {  	[sflag:s10] =	ssyncset.done @p0 $0x0  }
0x31: {  	[sflag:s10] =	ssyncadd.s32 @p0 $0xFFFFF800;
	s10 =	simm.s32 @!p0 $0x5  }
0x32: {  	_ =	swait.ge @!p0 [sflag:s10], $0x800  }
0x33: {  	[sflag:s10] =	ssyncset.done @!p0 $0x0  }
0x34: {  	[sflag:s10] =	ssyncadd.s32 @!p0 $0xFFFFF800;
	s10 =	simm.s32 @!p0 $0x6  }
0x35: {  	_ =	swait.ge @!p0 [sflag:s10], $0x2000  }
0x36: {  	[sflag:s10] =	ssyncset.done @!p0 $0x0  }
0x37: {  	[sflag:s10] =	ssyncadd.s32 @!p0 $0xFFFFE000;
	s10 =	simm.s32 @!p0 $0x7  }
0x38: {  	_ =	swait.ge @!p0 [sflag:s10], $0x2000  }
0x39: {  	[sflag:s10] =	ssyncset.done @!p0 $0x0  }
0x3a: {  	[sflag:s10] =	ssyncadd.s32 @!p0 $0xFFFFE000  }
0x3b: {  	_ =	swait.ge @!p0 [sflag:s10], $0x800  }
0x3c: {  	[sflag:s10] =	ssyncset.done @!p0 $0x0  }
0x3d: {  	[sflag:s10] =	ssyncadd.s32 @!p0 $0xFFFFF800;
	s10 =	simm.s32 @!p0 $0x8  }
0x3e: {  	_ =	swait.ge @!p0 [sflag:s10], $0x2000  }
0x3f: {  	[sflag:s10] =	ssyncset.done @!p0 $0x0  }
0x40: {  	s14 =	stileid.u32;
	[sflag:s10] =	ssyncadd.s32 @!p0 $0xFFFFE000  }
0x41: {  	s10 =	sshll.u32 s14, $0x6;
	[bflag:$0x0] =	sbarrier.arrive $0xFFFF  }
0x42: {  	s10 =	sor.u32 $0x1C09, s10;
	s11 =	rddreg [dreg:$0x7]  }
0x43: {  	[hbm:s11], [sflag:s10] =	dma.local [spmem:s24], $0x1400  }
0x44: {  	_ =	swait.ge [sflag:s22], $0x1400  }
0x45: {  	[sflag:s22] =	ssyncset.done $0x0  }
0x46: {  	s15 =	rddreg [dreg:$0x8];
	[sflag:s22] =	ssyncadd.s32 $0xFFFFEC00  }
0x47: {  	[hbm:s15], [sflag:s10] =	dma.local [spmem:s25], $0x500  }
0x48: {  	_ =	swait.ge [sflag:s22], $0x500  }
0x49: {  	s5 =	sadd.s32 $0x1, s5;
	s16 =	rddreg [dreg:$0x9]  }
0x4a: {  	p2 =	sne.s32 s5, s16  }
.Ltmp1:
0x4b: {  	_ = 	snop;
	(pc) =	sbr.rel @!p2 .LBB2_9-.Ltmp1, $3  }
0x4c: {  	_ =	sdelay $0x1  }
0x4d: {  	[sflag:s22] =	ssyncset.done $0x0  }
0x4e: {  	[sflag:s22] =	ssyncadd.s32 $0xFFFFFB00  }
.LBB2_1:
0x4f: {  	s10 =	simm.s32 $0xA020  }
0x50: {  	[tilespmem:s10+$0x0] =	vst v0  }
0x51: {  	[tilespmem:s10+$0xFFFFFFE0] =	vst v0  }
0x52: {  	[tilespmem:s10+$0x10] =	vst v0  }
0x53: {  	s11 =	simm.s32 $0x40;
	s12 =	simm.s32 $0x0;
	[tilespmem:s10+$0xFFFFFFF0] =	vst v0  }
.LBB2_2:
0x54: {  	p2 =	sne.s32 s11, $0x1FC0  }
0x55: {  	[tilespmem:s12+$0x12000] =	vst v0;
	s10 =	sadd.s32 $0x40, s10;
	s12 =	smov.u32 s11;
	s11 =	sadd.s32 $0x40, s11  }
.Ltmp2:
0x56: {  	[tilespmem:s10+$0x0] =	vst v0;
	(pc) =	sbr.rel @p2 .LBB2_2-.Ltmp2, $4  }
0x57: {  	_ = 	snop  }
0x58: {  	[tilespmem:s10+$0xFFFFFFE0] =	vst v0  }
0x59: {  	[tilespmem:s10+$0x10] =	vst v0  }
0x5a: {  	s12 =	sshra.s32 s12, $0x2;
	[tilespmem:s10+$0xFFFFFFF0] =	vst v0  }
0x5b: {  	[tilespmem:s12+$0x12000] =	vst v0;
	s10 =	rddreg [dreg:$0xa]  }
0x5c: {  	[spmem:s10] =	stream.linear.scatter [tilespmem:s21], [sflag:$0x9], $0x2000, $0x38;
	[tilespmem:$0x1F000] =	vst v63  }
0x5d: {  	_ =	swait.ge [sflag:s22], $0x2000  }
0x5e: {  	[sflag:s22] =	ssyncset.done $0x0  }
0x5f: {  	s12 =	rddreg [dreg:$0xb];
	[sflag:s22] =	ssyncadd.s32 $0xFFFFE000  }
0x60: {  	[spmem:s12] =	stream.linear.scatter [tilespmem:s23], [sflag:$0x9], $0x800, $0x38;
	[tilespmem:$0x1F000] =	vst v63  }
0x61: {  	_ =	swait.ge [sflag:s22], $0x800  }
0x62: {  	[sflag:s22] =	ssyncset.done $0x0  }
0x63: {  	s13 =	rddreg [dreg:$0xc];
	[sflag:s22] =	ssyncadd.s32 $0xFFFFF800  }
0x64: {  	[spmem:s13] =	stream.linear.scatter [tilespmem:s21], [sflag:$0x9], $0x2000, $0x38;
	[tilespmem:$0x1F000] =	vst v63  }
0x65: {  	_ =	swait.ge [sflag:s22], $0x2000  }
0x66: {  	[sflag:s22] =	ssyncset.done $0x0  }
0x67: {  	s14 =	rddreg [dreg:$0xd];
	[sflag:s22] =	ssyncadd.s32 $0xFFFFE000  }
0x68: {  	[spmem:s14] =	stream.linear.scatter [tilespmem:s23], [sflag:$0x9], $0x800, $0x38;
	[tilespmem:$0x1F000] =	vst v63  }
0x69: {  	_ =	swait.ge [sflag:s22], $0x800  }
0x6a: {  	[sflag:s22] =	ssyncset.done $0x0  }
0x6b: {  	s15 =	rddreg [dreg:$0xe];
	[sflag:s22] =	ssyncadd.s32 $0xFFFFF800  }
0x6c: {  	[spmem:s15] =	stream.linear.scatter [tilespmem:s21], [sflag:$0x9], $0x2000, $0x38;
	[tilespmem:$0x1F000] =	vst v63  }
0x6d: {  	_ =	swait.ge [sflag:s22], $0x2000  }
0x6e: {  	[sflag:s22] =	ssyncset.done $0x0  }
0x6f: {  	s16 =	rddreg [dreg:$0xf];
	[sflag:s22] =	ssyncadd.s32 $0xFFFFE000  }
0x70: {  	[spmem:s16] =	stream.linear.scatter [tilespmem:s23], [sflag:$0x9], $0x800, $0x38;
	[tilespmem:$0x1F000] =	vst v63  }
0x71: {  	_ =	swait.ge [sflag:s22], $0x800  }
0x72: {  	[sflag:s22] =	ssyncset.done $0x0  }
0x73: {  	[sflag:s22] =	ssyncadd.s32 $0xFFFFF800  }
0x74: {  	[spmem:s17] =	stream.linear.scatter [tilespmem:s21], [sflag:$0x9], $0x2000, $0x38;
	[tilespmem:$0x1F000] =	vst v63  }
0x75: {  	_ =	swait.ge [sflag:s22], $0x2000  }
0x76: {  	[sflag:s22] =	ssyncset.done $0x0  }
0x77: {  	[sflag:s22] =	ssyncadd.s32 $0xFFFFE000  }
0x78: {  	[spmem:s18] =	stream.linear.scatter [tilespmem:s23], [sflag:$0x9], $0x800, $0x38;
	[tilespmem:$0x1F000] =	vst v63  }
0x79: {  	_ =	swait.ge [sflag:s22], $0x800  }
0x7a: {  	[sflag:s22] =	ssyncset.done $0x0  }
0x7b: {  	[sflag:s22] =	ssyncadd.s32 $0xFFFFF800  }
0x7c: {  	[spmem:s19] =	stream.linear.scatter [tilespmem:s21], [sflag:$0x9], $0x2000, $0x38;
	[tilespmem:$0x1F000] =	vst v63  }
0x7d: {  	_ =	swait.ge [sflag:s22], $0x2000  }
0x7e: {  	[sflag:s22] =	ssyncset.done $0x0  }
0x7f: {  	[sflag:s22] =	ssyncadd.s32 $0xFFFFE000  }
0x80: {  	[spmem:s20] =	stream.linear.scatter [tilespmem:s23], [sflag:$0x9], $0x800, $0x38;
	[tilespmem:$0x1F000] =	vst v63  }
0x81: {  	_ =	swait.ge [sflag:s22], $0x800  }
0x82: {  	[sflag:s22] =	ssyncset.done $0x0  }
0x83: {  	s11 =	simm.s32 $0x0;
	s10 =	simm.s32 $0x40;
	[sflag:s22] =	ssyncadd.s32 $0xFFFFF800  }
.LBB2_4:
0x84: {  	p2 =	sne.s32 s10, $0x1FC0;
	[tilespmem:s11+$0x12000] =	vst v1;
	s11 =	smov.u32 s10;
	s10 =	sadd.s32 $0x40, s10  }
.Ltmp3:
0x85: {  	(pc) =	sbr.rel @p2 .LBB2_4-.Ltmp3, $2  }
0x86: {  	_ =	sdelay $0x2  }
0x87: {  	s11 =	sshra.s32 s11, $0x2  }
0x88: {  	[tilespmem:s11+$0x12000] =	vst v1  }
0x89: {  	[bflag:$0x0] =	sbarrier.arrive $0xFFFF  }
0x8a: {  	s10 =	simm.s32 $0x0;
	s12 =	rddreg [dreg:$0x5]  }
0x8b: {  	[tilespmem:s10], [sflag:$0x9] =	stream.linear.gather [hbm4b:s12+s10], $0x5000, $0x38;
	[tilespmem:$0x1F000] =	vst v63  }
0x8c: {  	_ =	swait.ge [sflag:s22], $0x5000  }
0x8d: {  	[sflag:s22] =	ssyncset.done $0x0  }
0x8e: {  	s13 =	rddreg [dreg:$0x6];
	[sflag:s22] =	ssyncadd.s32 $0xFFFFB000  }
0x8f: {  	[tilespmem:s26], [sflag:$0x9] =	stream.linear.gather [hbm4b:s13+s10], $0x5000, $0x38;
	[tilespmem:$0x1F000] =	vst v63  }
0x90: {  	_ =	swait.ge [sflag:s22], $0x5000  }
0x91: {  	[sflag:s22] =	ssyncset.done $0x0  }
0x92: {  	[sflag:s22] =	ssyncadd.s32 $0xFFFFB000  }
0x93: {  	[tilespmem:s21], [sflag:$0x1] =	stream.indirect.gather [hbm4b:s1+s28], $0x40, s26, s28, $0xb8;
	[tilespmem:$0x1F000] =	vst v63  }
0x94: {  	s14 =	simm.s32 $0x5080  }
0x95: {  	[tilespmem:s30], [sflag:$0x2] =	stream.indirect.gather [hbm4b:s1+s28], $0x40, s14, s28, $0xb8;
	[tilespmem:$0x1F000] =	vst v63  }
0x96: {  	s15 =	simm.s32 $0x5100  }
0x97: {  	[tilespmem:s2], [sflag:$0x3] =	stream.indirect.gather [hbm4b:s1+s28], $0x40, s15, s28, $0xb8;
	[tilespmem:$0x1F000] =	vst v63  }
0x98: {  	s16 =	simm.s32 $0x5180  }
0x99: {  	[tilespmem:s29], [sflag:$0x4] =	stream.indirect.gather [hbm4b:s1+s28], $0x40, s16, s28, $0xb8;
	[tilespmem:$0x1F000] =	vst v63  }
.LBB2_6:
0x9a: {  	_ =	swait.ge [sflag:s31], $0x2000  }
0x9b: {  	[sflag:s31] =	ssyncset.done $0x0  }
0x9c: {  	s11 =	sshra.s32 s10, $0x2;
	[sflag:s31] =	ssyncadd.s32 $0xFFFFE000  }
0x9d: {  	[spmem:s3] =	stream.indirect.scatter.add.f32 [tilespmem:s21], [sflag:$0x5], $0x40, s11, s28, $0xb8;
	[tilespmem:$0x1F000] =	vst v63  }
0x9e: {  	s13 =	simm.s32 @!p0 $0x80;
	s14 =	simm.s32 @!p0 $0x12000  }
0x9f: {  	[spmem:s4] =	stream.indirect.scatter.add.f32 @!p0 [tilespmem:s14], [sflag:$0x5], $0x10, s11, s13, $0xb8;
	[tilespmem:$0x1F000] =	vst v63  }
0xa0: {  	_ =	swait.ge [sflag:s0], $0x2000  }
0xa1: {  	[sflag:s0] =	ssyncset.done $0x0  }
0xa2: {  	s15 =	sadd.s32 $0x80, s11;
	[sflag:s0] =	ssyncadd.s32 $0xFFFFE000  }
0xa3: {  	[spmem:s3] =	stream.indirect.scatter.add.f32 [tilespmem:s30], [sflag:$0x6], $0x40, s15, s28, $0xb8;
	[tilespmem:$0x1F000] =	vst v63  }
0xa4: {  	s12 =	simm.s32 @!p1 $0x80;
	s16 =	simm.s32 @!p1 $0x12000  }
0xa5: {  	[spmem:s4] =	stream.indirect.scatter.add.f32 @!p1 [tilespmem:s16], [sflag:$0x6], $0x10, s15, s12, $0xb8;
	[tilespmem:$0x1F000] =	vst v63  }
0xa6: {  	_ =	swait.ge [sflag:s6], $0x2000  }
0xa7: {  	[sflag:s6] =	ssyncset.done $0x0  }
0xa8: {  	s15 =	sadd.s32 $0x100, s11;
	[sflag:s6] =	ssyncadd.s32 $0xFFFFE000  }
0xa9: {  	[spmem:s3] =	stream.indirect.scatter.add.f32 [tilespmem:s2], [sflag:$0x7], $0x40, s15, s28, $0xb8;
	[tilespmem:$0x1F000] =	vst v63  }
0xaa: {  	_ = 	snop  }
0xab: {  	[spmem:s4] =	stream.indirect.scatter.add.f32 @!p0 [tilespmem:s14], [sflag:$0x7], $0x10, s15, s13, $0xb8;
	[tilespmem:$0x1F000] =	vst v63  }
0xac: {  	_ =	swait.ge [sflag:s7], $0x2000  }
0xad: {  	[sflag:s7] =	ssyncset.done $0x0  }
0xae: {  	p2 =	seq.s32 s10, $0x13800;
	s13 =	sadd.s32 $0x180, s11;
	[sflag:s7] =	ssyncadd.s32 $0xFFFFE000  }
0xaf: {  	[spmem:s3] =	stream.indirect.scatter.add.f32 [tilespmem:s29], [sflag:$0x8], $0x40, s13, s28, $0xb8;
	[tilespmem:$0x1F000] =	vst v63  }
.Ltmp4:
0xb0: {  	_ = 	snop;
	(pc) =	sbr.rel @p2 .LBB2_8-.Ltmp4, $4  }
0xb1: {  	[spmem:s4] =	stream.indirect.scatter.add.f32 @!p1 [tilespmem:s16], [sflag:$0x8], $0x10, s13, s12, $0xb8;
	[tilespmem:$0x1F000] =	vst v63  }
0xb2: {  	_ =	swait.ge [sflag:s8], $0x2000  }
0xb3: {  	[sflag:s8] =	ssyncset.done $0x0  }
0xb4: {  	[sflag:s8] =	ssyncadd.s32 $0xFFFFE000  }
0xb5: {  	s13 =	simm.s32 @!p0 $0x5  }
0xb6: {  	_ =	swait.ge @!p0 [sflag:s13], $0x800  }
0xb7: {  	[sflag:s13] =	ssyncset.done @!p0 $0x0  }
0xb8: {  	s15 =	sadd.s32 $0x5200, s11;
	[sflag:s13] =	ssyncadd.s32 @!p0 $0xFFFFF800  }
0xb9: {  	[tilespmem:s21], [sflag:$0x1] =	stream.indirect.gather [hbm4b:s1+s28], $0x40, s15, s28, $0xb8;
	[tilespmem:$0x1F000] =	vst v63  }
0xba: {  	_ =	swait.ge [sflag:s9], $0x2000  }
0xbb: {  	s14 =	simm.s32 @p1 $0x80;
	s13 =	sshra.s32 @p1 s10, $0x2;
	[sflag:s9] =	ssyncset.done $0x0  }
0xbc: {  	s13 =	sadd.s32 @p1 $0x5280, s13;
	s15 =	simm.s32 @p1 $0xC000;
	[sflag:s9] =	ssyncadd.s32 $0xFFFFE000  }
0xbd: {  	[tilespmem:s15], [sflag:$0x2] =	stream.indirect.gather @p1 [hbm4b:s1+s14], $0x40, s13, s14, $0xb8;
	[tilespmem:$0x1F000] =	vst v63  }
0xbe: {  	s13 =	simm.s32 @p1 $0x7  }
0xbf: {  	_ =	swait.ge @p1 [sflag:s13], $0x2000  }
0xc0: {  	[sflag:s13] =	ssyncset.done @p1 $0x0  }
0xc1: {  	[sflag:s13] =	ssyncadd.s32 @p1 $0xFFFFE000  }
0xc2: {  	_ =	swait.ge @p1 [sflag:s13], $0x800  }
0xc3: {  	[sflag:s13] =	ssyncset.done @p1 $0x0  }
0xc4: {  	s15 =	sadd.s32 $0x5300, s11;
	[sflag:s13] =	ssyncadd.s32 @p1 $0xFFFFF800;
	s13 =	simm.s32 @p1 $0xE000  }
0xc5: {  	[tilespmem:s13], [sflag:$0x3] =	stream.indirect.gather @p1 [hbm4b:s1+s14], $0x40, s15, s14, $0xb8;
	[tilespmem:$0x1F000] =	vst v63  }
0xc6: {  	s13 =	simm.s32 @p1 $0x8  }
0xc7: {  	_ =	swait.ge @p1 [sflag:s13], $0x2000  }
0xc8: {  	[sflag:s13] =	ssyncset.done @p1 $0x0  }
0xc9: {  	[sflag:s13] =	ssyncadd.s32 @p1 $0xFFFFE000;
	s13 =	simm.s32 @!p1 $0x6  }
0xca: {  	_ =	swait.ge @!p1 [sflag:s13], $0x800  }
0xcb: {  	s14 =	sshra.s32 @!p1 s10, $0x2;
	[sflag:s13] =	ssyncset.done @!p1 $0x0  }
0xcc: {  	[sflag:s13] =	ssyncadd.s32 @!p1 $0xFFFFF800;
	s13 =	sadd.s32 @!p1 $0x5280, s14;
	s14 =	simm.s32 @!p1 $0xC000  }
0xcd: {  	[tilespmem:s14], [sflag:$0x2] =	stream.indirect.gather @!p1 [hbm4b:s1+s12], $0x40, s13, s12, $0xb8;
	[tilespmem:$0x1F000] =	vst v63  }
0xce: {  	s13 =	simm.s32 @!p1 $0x7  }
0xcf: {  	_ =	swait.ge @!p1 [sflag:s13], $0x2000  }
0xd0: {  	[sflag:s13] =	ssyncset.done @!p1 $0x0  }
0xd1: {  	[sflag:s13] =	ssyncadd.s32 @!p1 $0xFFFFE000;
	s13 =	simm.s32 @!p1 $0xE000  }
0xd2: {  	[tilespmem:s13], [sflag:$0x3] =	stream.indirect.gather @!p1 [hbm4b:s1+s12], $0x40, s15, s12, $0xb8;
	[tilespmem:$0x1F000] =	vst v63  }
0xd3: {  	s12 =	simm.s32 @!p1 $0x8  }
0xd4: {  	_ =	swait.ge @!p1 [sflag:s12], $0x2000  }
0xd5: {  	[sflag:s12] =	ssyncset.done @!p1 $0x0  }
.Ltmp5:
0xd6: {  	[sflag:s12] =	ssyncadd.s32 @!p1 $0xFFFFE000;
	(pc) =	sbr.rel .LBB2_6-.Ltmp5, $4  }
0xd7: {  	_ =	swait.ge @!p1 [sflag:s12], $0x800  }
0xd8: {  	[sflag:s12] =	ssyncset.done @!p1 $0x0  }
0xd9: {  	s16 =	sadd.s32 $0x5380, s11;
	s10 =	sadd.s32 $0x800, s10;
	[sflag:s12] =	ssyncadd.s32 @!p1 $0xFFFFF800  }
0xda: {  	[tilespmem:s29], [sflag:$0x4] =	stream.indirect.gather [hbm4b:s1+s28], $0x40, s16, s28, $0xb8;
	[tilespmem:$0x1F000] =	vst v63  }
.LBB2_9:
0xdb: {  	_ =	sfence.sel $0x180000  }
0xdc: {  	[bflag:$0x0] =	sbarrier.arrive $0xFFFF  }
0xdd: {  	_ =	strace $0x90000047  }
0xde: {  	s0 =	stileid.u32;
	[bflag:$0x2] =	sbarrier.arrive $0xFFFF  }
0xdf: {  	p0 =	sne.s32 s0, $0x0;
	s0 =	rddreg [dreg:$0x4]  }
0xe0: {  	s0 =	sadd.s32 @!p0 $0x100000, s0  }
0xe1: {  	[sflag:s0] =	ssyncadd.tile.s32 @!p0 $0x1;
	_ =	shalt  }
.Lfunc_end2:
_tile_overlayer_lowered:
.L_overlay_start_2:
0xe2: {  	(tag) =	ssettag $0x2  }
0xe3: {  	s0 =	rddreg [dreg:$0x0];
	s2 =	stileid.u32  }
0xe4: {  	s1 =	rddreg [dreg:$0x1];
	p0 =	sne.s32 s2, $0x0  }
0xe5: {  	s3 =	rddreg [dreg:$0x2];
	[bflag:$0x3] =	sbarrier.arrive $0xFFFF;
	s2 =	simm.s32 @!p0 $0x1C09  }
0xe6: {  	[timem:s3], [sflag:s2] =	dma.local @!p0 [hbm:s0], s1  }
0xe7: {  	s0 =	simm.s32 @!p0 $0x9  }
0xe8: {  	_ =	swait.ge @!p0 [sflag:s0], s1  }
0xe9: {  	s1 =	ssub.s32 @!p0 $0x0, s1;
	[sflag:s0] =	ssyncset.done @!p0 $0x0  }
0xea: {  	[sflag:s0] =	ssyncadd.s32 @!p0 s1  }
0xeb: {  	[bflag:$0x3] =	sbarrier.arrive $0xFFFF  }
0xec: {  	_ =	shalt  }

</sc_bundles>
